<compile_context>
chip_gen: v7x
topology: tpu7x:2x2x1
jax: 0.10.2.dev20260603
libtpu: 0.0.44.dev20260713+nightly
codegen_flags: <defaults>
</compile_context>

<pallas_src>
import functools

import jax
import jax.numpy as jnp
from jax import lax
from jax.experimental import pallas as pl
from jax.experimental.pallas import tpu as pltpu
from jax.experimental.pallas import tpu_sc as plsc

N_NODES = 10000
N_PAD = 10240
FDIM = 128
NCLS = 40
NGRAPH = 64
N_EDGES = 320000
NCORES = 2
NSUB = 16
NW = NCORES * NSUB
CHUNK = 128
TOTC = 2560
E_PAD = TOTC * CHUNK
NC0 = 148
NC1 = 12
JUNK_ROW = N_PAD - 1
RPT = N_PAD // NSUB
BM = 1024
NBLK = N_PAD // BM

_mesh = plsc.VectorSubcoreMesh(core_axis_name="c", subcore_axis_name="s",
                               num_cores=NCORES)


def _fill2(ref, nrows, ncols, val):
    v = jnp.full((16,), val, jnp.float32)

    def row(i, carry):
        for k in range(ncols // 16):
            ref[i, pl.ds(k * 16, 16)] = v
        return carry

    lax.fori_loop(0, nrows, row, 0)


def _fill1(ref, n, val):
    v = jnp.full((16,), val, jnp.float32)

    def step(i, carry):
        ref[pl.ds(i * 16, 16)] = v
        return carry

    lax.fori_loop(0, n // 16, step, 0)


def _sc_agg_body(with_deg, table, eir, *rest):
    if with_deg:
        (out, dout, acc, degs, ib0, ib1, rows0, rows1, ones_v, zv,
         g0, g1, s0, s1, d0, d1) = rest
    else:
        (out, acc, ib0, ib1, rows0, rows1, g0, g1, s0, s1) = rest
        degs = dout = ones_v = zv = d0 = d1 = None
    ibufs = (ib0, ib1)
    rowss = (rows0, rows1)
    gsem = (g0, g1)
    ssem = (s0, s1)
    dsem = (d0, d1)
    c = lax.axis_index("c")
    s = lax.axis_index("s")
    base = s * RPT
    nchunk = jnp.where(c == 0, NC0, NC1)
    k0 = jnp.where(c == 0, s * NC0, NSUB * NC0 + s * NC1)

    def load_idx(j, b):
        pltpu.sync_copy(eir.at[pl.ds(2 * (k0 + j), 2)], ibufs[b])

    def gather_start(b):
        pltpu.async_copy(table.at[ibufs[b].at[0]], rowss[b], gsem[b])

    def gather_wait(b):
        pltpu.make_async_copy(
            table.at[ibufs[b].at[0]], rowss[b], gsem[b]).wait()

    def scatter_start(b):
        pltpu.async_copy(rowss[b], acc.at[ibufs[b].at[1]], ssem[b], add=True)
        if with_deg:
            pltpu.async_copy(ones_v, degs.at[ibufs[b].at[1]], dsem[b],
                             add=True)

    def scatter_wait(b):
        pltpu.make_async_copy(rowss[b], acc.at[ibufs[b].at[1]], ssem[b]).wait()
        if with_deg:
            pltpu.make_async_copy(
                ones_v, degs.at[ibufs[b].at[1]], dsem[b]).wait()

    _fill2(rows0, CHUNK, FDIM, 0.0)
    for k in range(RPT // CHUNK):
        pltpu.sync_copy(rows0, acc.at[pl.ds(base + k * CHUNK, CHUNK)])
    if with_deg:
        _fill1(zv, RPT, 0.0)
        pltpu.sync_copy(zv, degs.at[pl.ds(base, RPT)])
        _fill1(ones_v, CHUNK, 1.0)
    load_idx(0, 0)
    gather_start(0)
    load_idx(1, 1)
    gather_start(1)
    plsc.subcore_barrier()
    gather_wait(0)
    scatter_start(0)

    def step(j, cur):
        nxt = 1 - cur
        scatter_wait(nxt)
        load_idx(j + 1, nxt)
        gather_start(nxt)
        gather_wait(cur)
        scatter_start(cur)

    def pair(p, carry):
        step(2 * p + 1, 1)
        step(2 * p + 2, 0)
        return carry

    lax.fori_loop(0, (nchunk - 2) // 2, pair, 0)
    scatter_wait(0)
    gather_wait(1)
    scatter_start(1)
    scatter_wait(1)
    plsc.subcore_barrier()
    pltpu.sync_copy(acc.at[pl.ds(base, RPT)], out.at[c, pl.ds(base, RPT)])
    if with_deg:
        pltpu.sync_copy(degs.at[pl.ds(base, RPT)],
                        dout.at[pl.ds(c * N_PAD + base, RPT)])


_agg_deg = pl.kernel(
    functools.partial(_sc_agg_body, True),
    out_type=[
        jax.ShapeDtypeStruct((NCORES, N_PAD, FDIM), jnp.float32),
        jax.ShapeDtypeStruct((NCORES * N_PAD,), jnp.float32),
    ],
    mesh=_mesh,
    scratch_types=[
        pltpu.VMEM_SHARED((N_PAD, FDIM), jnp.float32),
        pltpu.VMEM_SHARED((N_PAD,), jnp.float32),
        pltpu.VMEM((2, CHUNK), jnp.int32),
        pltpu.VMEM((2, CHUNK), jnp.int32),
        pltpu.VMEM((CHUNK, FDIM), jnp.float32),
        pltpu.VMEM((CHUNK, FDIM), jnp.float32),
        pltpu.VMEM((CHUNK,), jnp.float32),
        pltpu.VMEM((RPT,), jnp.float32),
        pltpu.SemaphoreType.DMA,
        pltpu.SemaphoreType.DMA,
        pltpu.SemaphoreType.DMA,
        pltpu.SemaphoreType.DMA,
        pltpu.SemaphoreType.DMA,
        pltpu.SemaphoreType.DMA,
    ],
)

_agg = pl.kernel(
    functools.partial(_sc_agg_body, False),
    out_type=[jax.ShapeDtypeStruct((NCORES, N_PAD, FDIM), jnp.float32)],
    mesh=_mesh,
    scratch_types=[
        pltpu.VMEM_SHARED((N_PAD, FDIM), jnp.float32),
        pltpu.VMEM((2, CHUNK), jnp.int32),
        pltpu.VMEM((2, CHUNK), jnp.int32),
        pltpu.VMEM((CHUNK, FDIM), jnp.float32),
        pltpu.VMEM((CHUNK, FDIM), jnp.float32),
        pltpu.SemaphoreType.DMA,
        pltpu.SemaphoreType.DMA,
        pltpu.SemaphoreType.DMA,
        pltpu.SemaphoreType.DMA,
    ],
)


def _dinv_from(pdeg_ref):
    d = pdeg_ref[0, 0]
    for k in range(1, NCORES):
        d = d + pdeg_ref[k, 0]
    return 1.0 / jnp.maximum(d, 1.0)


def _psum(p_ref):
    agg = p_ref[0]
    for k in range(1, NCORES):
        agg = agg + p_ref[k]
    return agg


def _c1_body(p_ref, pdeg_ref, w_ref, b_ref, out_ref):
    agg = _psum(p_ref) * _dinv_from(pdeg_ref)
    h = jnp.dot(agg, w_ref[...], preferred_element_type=jnp.float32) + b_ref[...]
    out_ref[...] = jnp.maximum(h, 0.0)


def _c2_body(p_ref, pdeg_ref, w_ref, b_ref, wout_ref, bout_ref, batch_ref,
             out_ref, s_acc, c_acc):
    i = pl.program_id(0)

    @pl.when(i == 0)
    def _():
        s_acc[...] = jnp.zeros_like(s_acc)
        c_acc[...] = jnp.zeros_like(c_acc)

    agg = _psum(p_ref) * _dinv_from(pdeg_ref)
    h2 = jnp.maximum(
        jnp.dot(agg, w_ref[...], preferred_element_type=jnp.float32) + b_ref[...],
        0.0)
    bb = batch_ref[0]
    gids = lax.broadcasted_iota(jnp.int32, (NGRAPH, BM), 0)
    oh = jnp.where(gids == bb, 1.0, 0.0)
    s_acc[...] += jnp.dot(oh, h2, preferred_element_type=jnp.float32)
    c_acc[...] += jnp.broadcast_to(
        jnp.sum(oh, axis=1, keepdims=True), (NGRAPH, FDIM))

    @pl.when(i == pl.num_programs(0) - 1)
    def _():
        cnt = c_acc[:, 0:NCLS]
        num = (jnp.dot(s_acc[...], wout_ref[...],
                       preferred_element_type=jnp.float32)
               + cnt * bout_ref[...])
        out_ref[...] = num / jnp.maximum(cnt, 1.0)


def _c1(p, pdeg, W, br):
    return pl.pallas_call(
        _c1_body,
        grid=(NBLK,),
        in_specs=[
            pl.BlockSpec((NCORES, BM, FDIM), lambda i: (0, i, 0)),
            pl.BlockSpec((NCORES, 1, BM, 1), lambda i: (0, i, 0, 0)),
            pl.BlockSpec((FDIM, FDIM), lambda i: (0, 0)),
            pl.BlockSpec((1, FDIM), lambda i: (0, 0)),
        ],
        out_specs=pl.BlockSpec((BM, FDIM), lambda i: (i, 0)),
        out_shape=jax.ShapeDtypeStruct((N_PAD, FDIM), jnp.float32),
    )(p, pdeg, W, br)


def _c2(p, pdeg, W, br, Wout, boutr, batch_r):
    return pl.pallas_call(
        _c2_body,
        grid=(NBLK,),
        in_specs=[
            pl.BlockSpec((NCORES, BM, FDIM), lambda i: (0, i, 0)),
            pl.BlockSpec((NCORES, 1, BM, 1), lambda i: (0, i, 0, 0)),
            pl.BlockSpec((FDIM, FDIM), lambda i: (0, 0)),
            pl.BlockSpec((1, FDIM), lambda i: (0, 0)),
            pl.BlockSpec((FDIM, NCLS), lambda i: (0, 0)),
            pl.BlockSpec((1, NCLS), lambda i: (0, 0)),
            pl.BlockSpec((1, 1, BM), lambda i: (i, 0, 0)),
        ],
        out_specs=pl.BlockSpec((NGRAPH, NCLS), lambda i: (0, 0)),
        out_shape=jax.ShapeDtypeStruct((NGRAPH, NCLS), jnp.float32),
        scratch_shapes=[
            pltpu.VMEM((NGRAPH, FDIM), jnp.float32),
            pltpu.VMEM((NGRAPH, FDIM), jnp.float32),
        ],
    )(p, pdeg, W, br, Wout, boutr, batch_r)


def kernel(x, edge_index, batch, W0, b0, W1, b1, Wout, bout):
    src = edge_index[0].astype(jnp.int32)
    dst = edge_index[1].astype(jnp.int32)
    npad = E_PAD - N_EDGES
    src_p = jnp.concatenate(
        [src, jnp.zeros((npad,), jnp.int32)]).reshape(TOTC, CHUNK)
    dst_p = jnp.concatenate(
        [dst, jnp.full((npad,), JUNK_ROW, jnp.int32)]).reshape(TOTC, CHUNK)
    eir = jnp.stack([src_p, dst_p], axis=1).reshape(2 * TOTC, CHUNK)
    batch_p = jnp.concatenate(
        [batch.astype(jnp.int32),
         jnp.full((N_PAD - N_NODES,), NGRAPH, jnp.int32)]).reshape(NBLK, 1, BM)
    p0, deg_flat = _agg_deg(x, eir)
    pdeg = deg_flat.reshape(NCORES, NBLK, BM, 1)
    h1 = _c1(p0, pdeg, W0, b0.reshape(1, FDIM))
    (p1,) = _agg(h1, eir)
    return _c2(p1, pdeg, W1, b1.reshape(1, FDIM), Wout,
               bout.reshape(1, NCLS), batch_p)

# --- scband reference (transcript-rebuilt; emitter-appended) ---
"""Pipeline reference for scband-fuse-base-17239998726599 (READ-ONLY COPY).

The authoritative reference and input builder live on the scoring server;
editing this copy changes nothing except your own understanding.
"""

import jax, jax.numpy as jnp
import numpy as np

N_NODES = 10000
N_EDGES = 320000
IN_DIM = 128
HID_DIM = 128
NCLASS = 40
N_GRAPHS = 64


def setup_inputs(seed: int = 0) -> dict:
    key = jax.random.key(seed)
    ks = jax.random.split(key, 10)
    x = jax.random.normal(ks[0], (N_NODES, IN_DIM), dtype=jnp.float32)
    edge_index = jax.random.randint(ks[1], (2, N_EDGES), 0, N_NODES, dtype=jnp.int64)
    batch = jnp.sort(jax.random.randint(ks[2], (N_NODES,), 0, N_GRAPHS, dtype=jnp.int64))
    s0 = 1.0 / np.sqrt(IN_DIM)
    s1 = 1.0 / np.sqrt(HID_DIM)
    W0 = jax.random.uniform(ks[3], (IN_DIM, HID_DIM), minval=-s0, maxval=s0, dtype=jnp.float32)
    b0 = jax.random.uniform(ks[4], (HID_DIM,), minval=-s0, maxval=s0, dtype=jnp.float32)
    W1 = jax.random.uniform(ks[5], (HID_DIM, HID_DIM), minval=-s1, maxval=s1, dtype=jnp.float32)
    b1 = jax.random.uniform(ks[6], (HID_DIM,), minval=-s1, maxval=s1, dtype=jnp.float32)
    Wout = jax.random.uniform(ks[7], (HID_DIM, NCLASS), minval=-s1, maxval=s1, dtype=jnp.float32)
    bout = jax.random.uniform(ks[8], (NCLASS,), minval=-s1, maxval=s1, dtype=jnp.float32)
    return {"x": x, "edge_index": edge_index, "batch": batch,
            "W0": W0, "b0": b0, "W1": W1, "b1": b1, "Wout": Wout, "bout": bout}


def _mp_layer(x, src, dst, W, b):
    # mean-aggregation message passing (GCN-style) over incoming edges
    ones = jnp.ones((src.shape[0],), dtype=x.dtype)
    deg = jax.ops.segment_sum(ones, dst, num_segments=N_NODES)
    agg = jax.ops.segment_sum(x[src], dst, num_segments=N_NODES)
    agg = agg / jnp.clip(deg, 1.0)[:, None]
    return jax.nn.relu(agg @ W + b)


def reference(x, edge_index, batch, W0, b0, W1, b1, Wout, bout):
    src = edge_index[0]
    dst = edge_index[1]
    # self.net: two MessagePassing layers (dropout is a no-op in eval)
    h = _mp_layer(x, src, dst, W0, b0)
    h = _mp_layer(h, src, dst, W1, b1)
    # self.output linear
    logits = h @ Wout + bout
    # scatter(x, batch.batch, dim=0, reduce='mean') -> graph-level pooling
    ones = jnp.ones((logits.shape[0],), dtype=logits.dtype)
    cnt = jax.ops.segment_sum(ones, batch, num_segments=N_GRAPHS)
    pooled = jax.ops.segment_sum(logits, batch, num_segments=N_GRAPHS)
    pooled = pooled / jnp.clip(cnt, 1.0)[:, None]
    return pooled

if __name__ == "__main__":
    import jax
    _d = setup_inputs()
    print(jax.jit(kernel)(*tuple(_d.values())))

</pallas_src>

<mosaic_0001>
#map = affine_map<(d0, d1) -> (0, 0)>
#map1 = affine_map<(d0, d1) -> (0, 0, 0)>
#map2 = affine_map<(d0, d1) -> (0)>
module attributes {stable_mosaic.version = 14 : i64} {
  func.func @_sc_agg_body(%arg0: i32, %arg1: i32, %arg2: memref<10000x128xf32, #tpu.memory_space<hbm>>, %arg3: memref<5120x128xi32, #tpu.memory_space<hbm>>, %arg4: memref<2x10240x128xf32, #tpu.memory_space<hbm>>, %arg5: memref<20480xf32, #tpu.memory_space<hbm>>, %arg6: memref<10240x128xf32, #tpu.memory_space<vmem_shared>>, %arg7: memref<10240xf32, #tpu.memory_space<vmem_shared>>, %arg8: memref<2x128xi32, #tpu.memory_space<vmem>>, %arg9: memref<2x128xi32, #tpu.memory_space<vmem>>, %arg10: memref<128x128xf32, #tpu.memory_space<vmem>>, %arg11: memref<128x128xf32, #tpu.memory_space<vmem>>, %arg12: memref<128xf32, #tpu.memory_space<vmem>>, %arg13: memref<640xf32, #tpu.memory_space<vmem>>, %arg14: memref<!tpu.dma_semaphore, #tpu.memory_space<semaphore_mem>>, %arg15: memref<!tpu.dma_semaphore, #tpu.memory_space<semaphore_mem>>, %arg16: memref<!tpu.dma_semaphore, #tpu.memory_space<semaphore_mem>>, %arg17: memref<!tpu.dma_semaphore, #tpu.memory_space<semaphore_mem>>, %arg18: memref<!tpu.dma_semaphore, #tpu.memory_space<semaphore_mem>>, %arg19: memref<!tpu.dma_semaphore, #tpu.memory_space<semaphore_mem>>) attributes {dimension_semantics = [#tpu.dimension_semantics<core_parallel>, #tpu.dimension_semantics<subcore_parallel>], iteration_bounds = array<i64: 2, 16>, scalar_prefetch = 0 : i64, scratch_operands = 14 : i64, tpu.core_type = #tpu.core_type<sc_vector_subcore>, window_params = [{transform_indices = #map}, {transform_indices = #map}, {transform_indices = #map1}, {transform_indices = #map2}]} {
    %mul3A = arith.constant 640 : i32
    %mul3A_0 = arith.muli %arg1, %mul3A : i32
    %eq3A = arith.constant 0 : i32
    %eq3A_1 = arith.cmpi eq, %arg0, %eq3A : i32
    %jit3A = arith.constant 148 : i32
    %jit3A_2 = arith.constant 12 : i32
    %select_n3A = arith.select %eq3A_1, %jit3A, %jit3A_2 : i32
    %eq3A_3 = arith.constant 0 : i32
    %eq3A_4 = arith.cmpi eq, %arg0, %eq3A_3 : i32
    %mul3A_5 = arith.constant 148 : i32
    %mul3A_6 = arith.muli %arg1, %mul3A_5 : i32
    %mul3A_7 = arith.constant 12 : i32
    %mul3A_8 = arith.muli %arg1, %mul3A_7 : i32
    %add3A = arith.constant 2368 : i32
    %add3A_9 = arith.addi %add3A, %mul3A_8 : i32
    %select_n3A_10 = arith.select %eq3A_4, %mul3A_6, %add3A_9 : i32
    %broadcast_in_dim3A = arith.constant 0.000000e+00 : f32
    %broadcast_in_dim3A_11 = vector.broadcast %broadcast_in_dim3A : f32 to vector<16xf32>
    %scan3A = arith.constant 0 : i32
    %scan3A_12 = arith.constant 0 : i32
    %scan3A_13 = arith.constant 128 : i32
    %scan3A_14 = arith.addi %scan3A_12, %scan3A_13 : i32
    %scan3A_15 = arith.constant 1 : i32
    scf.for %scan3A_162 = %scan3A_12 to %scan3A_14 step %scan3A_15  : i32 {
      %swap3A = arith.index_cast %scan3A_162 : i32 to index
      %swap3A_163 = arith.constant 0 : index
      %swap3A_164 = tpu.vector_load %arg10[%swap3A, %swap3A_163] {strides = array<i32>} : memref<128x128xf32, #tpu.memory_space<vmem>>, vector<1x16xf32>,
      %swap3A_165 = vector.shape_cast %swap3A_164 : vector<1x16xf32> to vector<16xf32>
      %swap3A_166 = vector.shape_cast %broadcast_in_dim3A_11 : vector<16xf32> to vector<1x16xf32>
      tpu.vector_store %arg10[%swap3A, %swap3A_163], %swap3A_166 {strides = array<i32>} : memref<128x128xf32, #tpu.memory_space<vmem>>, vector<1x16xf32>,
      %swap3A_167 = arith.index_cast %scan3A_162 : i32 to index
      %swap3A_168 = arith.constant 16 : index
      %swap3A_169 = tpu.vector_load %arg10[%swap3A_167, %swap3A_168] {strides = array<i32>} : memref<128x128xf32, #tpu.memory_space<vmem>>, vector<1x16xf32>,
      %swap3A_170 = vector.shape_cast %swap3A_169 : vector<1x16xf32> to vector<16xf32>
      %swap3A_171 = vector.shape_cast %broadcast_in_dim3A_11 : vector<16xf32> to vector<1x16xf32>
      tpu.vector_store %arg10[%swap3A_167, %swap3A_168], %swap3A_171 {strides = array<i32>} : memref<128x128xf32, #tpu.memory_space<vmem>>, vector<1x16xf32>,
      %swap3A_172 = arith.index_cast %scan3A_162 : i32 to index
      %swap3A_173 = arith.constant 32 : index
      %swap3A_174 = tpu.vector_load %arg10[%swap3A_172, %swap3A_173] {strides = array<i32>} : memref<128x128xf32, #tpu.memory_space<vmem>>, vector<1x16xf32>,
      %swap3A_175 = vector.shape_cast %swap3A_174 : vector<1x16xf32> to vector<16xf32>
      %swap3A_176 = vector.shape_cast %broadcast_in_dim3A_11 : vector<16xf32> to vector<1x16xf32>
      tpu.vector_store %arg10[%swap3A_172, %swap3A_173], %swap3A_176 {strides = array<i32>} : memref<128x128xf32, #tpu.memory_space<vmem>>, vector<1x16xf32>,
      %swap3A_177 = arith.index_cast %scan3A_162 : i32 to index
      %swap3A_178 = arith.constant 48 : index
      %swap3A_179 = tpu.vector_load %arg10[%swap3A_177, %swap3A_178] {strides = array<i32>} : memref<128x128xf32, #tpu.memory_space<vmem>>, vector<1x16xf32>,
      %swap3A_180 = vector.shape_cast %swap3A_179 : vector<1x16xf32> to vector<16xf32>
      %swap3A_181 = vector.shape_cast %broadcast_in_dim3A_11 : vector<16xf32> to vector<1x16xf32>
      tpu.vector_store %arg10[%swap3A_177, %swap3A_178], %swap3A_181 {strides = array<i32>} : memref<128x128xf32, #tpu.memory_space<vmem>>, vector<1x16xf32>,
      %swap3A_182 = arith.index_cast %scan3A_162 : i32 to index
      %swap3A_183 = arith.constant 64 : index
      %swap3A_184 = tpu.vector_load %arg10[%swap3A_182, %swap3A_183] {strides = array<i32>} : memref<128x128xf32, #tpu.memory_space<vmem>>, vector<1x16xf32>,
      %swap3A_185 = vector.shape_cast %swap3A_184 : vector<1x16xf32> to vector<16xf32>
      %swap3A_186 = vector.shape_cast %broadcast_in_dim3A_11 : vector<16xf32> to vector<1x16xf32>
      tpu.vector_store %arg10[%swap3A_182, %swap3A_183], %swap3A_186 {strides = array<i32>} : memref<128x128xf32, #tpu.memory_space<vmem>>, vector<1x16xf32>,
      %swap3A_187 = arith.index_cast %scan3A_162 : i32 to index
      %swap3A_188 = arith.constant 80 : index
      %swap3A_189 = tpu.vector_load %arg10[%swap3A_187, %swap3A_188] {strides = array<i32>} : memref<128x128xf32, #tpu.memory_space<vmem>>, vector<1x16xf32>,
      %swap3A_190 = vector.shape_cast %swap3A_189 : vector<1x16xf32> to vector<16xf32>
      %swap3A_191 = vector.shape_cast %broadcast_in_dim3A_11 : vector<16xf32> to vector<1x16xf32>
      tpu.vector_store %arg10[%swap3A_187, %swap3A_188], %swap3A_191 {strides = array<i32>} : memref<128x128xf32, #tpu.memory_space<vmem>>, vector<1x16xf32>,
      %swap3A_192 = arith.index_cast %scan3A_162 : i32 to index
      %swap3A_193 = arith.constant 96 : index
      %swap3A_194 = tpu.vector_load %arg10[%swap3A_192, %swap3A_193] {strides = array<i32>} : memref<128x128xf32, #tpu.memory_space<vmem>>, vector<1x16xf32>,
      %swap3A_195 = vector.shape_cast %swap3A_194 : vector<1x16xf32> to vector<16xf32>
      %swap3A_196 = vector.shape_cast %broadcast_in_dim3A_11 : vector<16xf32> to vector<1x16xf32>
      tpu.vector_store %arg10[%swap3A_192, %swap3A_193], %swap3A_196 {strides = array<i32>} : memref<128x128xf32, #tpu.memory_space<vmem>>, vector<1x16xf32>,
      %swap3A_197 = arith.index_cast %scan3A_162 : i32 to index
      %swap3A_198 = arith.constant 112 : index
      %swap3A_199 = tpu.vector_load %arg10[%swap3A_197, %swap3A_198] {strides = array<i32>} : memref<128x128xf32, #tpu.memory_space<vmem>>, vector<1x16xf32>,
      %swap3A_200 = vector.shape_cast %swap3A_199 : vector<1x16xf32> to vector<16xf32>
      %swap3A_201 = vector.shape_cast %broadcast_in_dim3A_11 : vector<16xf32> to vector<1x16xf32>
      tpu.vector_store %arg10[%swap3A_197, %swap3A_198], %swap3A_201 {strides = array<i32>} : memref<128x128xf32, #tpu.memory_space<vmem>>, vector<1x16xf32>,
    }
    %scan3A_16 = arith.constant 128 : i32
    %add3A_17 = arith.constant 0 : i32
    %add3A_18 = arith.addi %mul3A_0, %add3A_17 : i32
    "tpu.region"() ({
      %run_scoped3A = tpu.sem_alloc : memref<!tpu.dma_semaphore, #tpu.memory_space<semaphore_mem>>
      %dma_start3A_162 = arith.constant 0 : i32
      %dma_start3A_163 = tpu.memref_slice %arg6[%add3A_18, %dma_start3A_162] : memref<10240x128xf32, #tpu.memory_space<vmem_shared>> -> memref<128x128xf32, #tpu.memory_space<vmem_shared>>
      %dma_start3A_164 = arith.constant 0 : i32
      %dma_start3A_165 = tpu.memref_slice %arg6[%add3A_18, %dma_start3A_164] : memref<10240x128xf32, #tpu.memory_space<vmem_shared>> -> memref<128x128xf32, #tpu.memory_space<vmem_shared>>
      tpu.enqueue_dma source(%arg10 : memref<128x128xf32, #tpu.memory_space<vmem>>) target(%dma_start3A_165 : memref<128x128xf32, #tpu.memory_space<vmem_shared>>) target_semaphore(%run_scoped3A : memref<!tpu.dma_semaphore, #tpu.memory_space<semaphore_mem>>)
      %dma_wait3A_166 = arith.constant 0 : i32
      %dma_wait3A_167 = tpu.memref_slice %arg6[%add3A_18, %dma_wait3A_166] : memref<10240x128xf32, #tpu.memory_space<vmem_shared>> -> memref<128x128xf32, #tpu.memory_space<vmem_shared>>
      %dma_wait3A_168 = arith.constant 0 : i32
      %dma_wait3A_169 = tpu.memref_slice %arg6[%add3A_18, %dma_wait3A_168] : memref<10240x128xf32, #tpu.memory_space<vmem_shared>> -> memref<128x128xf32, #tpu.memory_space<vmem_shared>>
      tpu.wait_dma2 semaphore(%run_scoped3A : memref<!tpu.dma_semaphore, #tpu.memory_space<semaphore_mem>>) src(%arg10 : memref<128x128xf32, #tpu.memory_space<vmem>>) dst(%dma_wait3A_169 : memref<128x128xf32, #tpu.memory_space<vmem_shared>>)
      tpu.yield
    }) : () -> ()
    %add3A_19 = arith.constant 128 : i32
    %add3A_20 = arith.addi %mul3A_0, %add3A_19 : i32
    "tpu.region"() ({
      %run_scoped3A = tpu.sem_alloc : memref<!tpu.dma_semaphore, #tpu.memory_space<semaphore_mem>>
      %dma_start3A_162 = arith.constant 0 : i32
      %dma_start3A_163 = tpu.memref_slice %arg6[%add3A_20, %dma_start3A_162] : memref<10240x128xf32, #tpu.memory_space<vmem_shared>> -> memref<128x128xf32, #tpu.memory_space<vmem_shared>>
      %dma_start3A_164 = arith.constant 0 : i32
      %dma_start3A_165 = tpu.memref_slice %arg6[%add3A_20, %dma_start3A_164] : memref<10240x128xf32, #tpu.memory_space<vmem_shared>> -> memref<128x128xf32, #tpu.memory_space<vmem_shared>>
      tpu.enqueue_dma source(%arg10 : memref<128x128xf32, #tpu.memory_space<vmem>>) target(%dma_start3A_165 : memref<128x128xf32, #tpu.memory_space<vmem_shared>>) target_semaphore(%run_scoped3A : memref<!tpu.dma_semaphore, #tpu.memory_space<semaphore_mem>>)
      %dma_wait3A_166 = arith.constant 0 : i32
      %dma_wait3A_167 = tpu.memref_slice %arg6[%add3A_20, %dma_wait3A_166] : memref<10240x128xf32, #tpu.memory_space<vmem_shared>> -> memref<128x128xf32, #tpu.memory_space<vmem_shared>>
      %dma_wait3A_168 = arith.constant 0 : i32
      %dma_wait3A_169 = tpu.memref_slice %arg6[%add3A_20, %dma_wait3A_168] : memref<10240x128xf32, #tpu.memory_space<vmem_shared>> -> memref<128x128xf32, #tpu.memory_space<vmem_shared>>
      tpu.wait_dma2 semaphore(%run_scoped3A : memref<!tpu.dma_semaphore, #tpu.memory_space<semaphore_mem>>) src(%arg10 : memref<128x128xf32, #tpu.memory_space<vmem>>) dst(%dma_wait3A_169 : memref<128x128xf32, #tpu.memory_space<vmem_shared>>)
      tpu.yield
    }) : () -> ()
    %add3A_21 = arith.constant 256 : i32
    %add3A_22 = arith.addi %mul3A_0, %add3A_21 : i32
    "tpu.region"() ({
      %run_scoped3A = tpu.sem_alloc : memref<!tpu.dma_semaphore, #tpu.memory_space<semaphore_mem>>
      %dma_start3A_162 = arith.constant 0 : i32
      %dma_start3A_163 = tpu.memref_slice %arg6[%add3A_22, %dma_start3A_162] : memref<10240x128xf32, #tpu.memory_space<vmem_shared>> -> memref<128x128xf32, #tpu.memory_space<vmem_shared>>
      %dma_start3A_164 = arith.constant 0 : i32
      %dma_start3A_165 = tpu.memref_slice %arg6[%add3A_22, %dma_start3A_164] : memref<10240x128xf32, #tpu.memory_space<vmem_shared>> -> memref<128x128xf32, #tpu.memory_space<vmem_shared>>
      tpu.enqueue_dma source(%arg10 : memref<128x128xf32, #tpu.memory_space<vmem>>) target(%dma_start3A_165 : memref<128x128xf32, #tpu.memory_space<vmem_shared>>) target_semaphore(%run_scoped3A : memref<!tpu.dma_semaphore, #tpu.memory_space<semaphore_mem>>)
      %dma_wait3A_166 = arith.constant 0 : i32
      %dma_wait3A_167 = tpu.memref_slice %arg6[%add3A_22, %dma_wait3A_166] : memref<10240x128xf32, #tpu.memory_space<vmem_shared>> -> memref<128x128xf32, #tpu.memory_space<vmem_shared>>
      %dma_wait3A_168 = arith.constant 0 : i32
      %dma_wait3A_169 = tpu.memref_slice %arg6[%add3A_22, %dma_wait3A_168] : memref<10240x128xf32, #tpu.memory_space<vmem_shared>> -> memref<128x128xf32, #tpu.memory_space<vmem_shared>>
      tpu.wait_dma2 semaphore(%run_scoped3A : memref<!tpu.dma_semaphore, #tpu.memory_space<semaphore_mem>>) src(%arg10 : memref<128x128xf32, #tpu.memory_space<vmem>>) dst(%dma_wait3A_169 : memref<128x128xf32, #tpu.memory_space<vmem_shared>>)
      tpu.yield
    }) : () -> ()
    %add3A_23 = arith.constant 384 : i32
    %add3A_24 = arith.addi %mul3A_0, %add3A_23 : i32
    "tpu.region"() ({
      %run_scoped3A = tpu.sem_alloc : memref<!tpu.dma_semaphore, #tpu.memory_space<semaphore_mem>>
      %dma_start3A_162 = arith.constant 0 : i32
      %dma_start3A_163 = tpu.memref_slice %arg6[%add3A_24, %dma_start3A_162] : memref<10240x128xf32, #tpu.memory_space<vmem_shared>> -> memref<128x128xf32, #tpu.memory_space<vmem_shared>>
      %dma_start3A_164 = arith.constant 0 : i32
      %dma_start3A_165 = tpu.memref_slice %arg6[%add3A_24, %dma_start3A_164] : memref<10240x128xf32, #tpu.memory_space<vmem_shared>> -> memref<128x128xf32, #tpu.memory_space<vmem_shared>>
      tpu.enqueue_dma source(%arg10 : memref<128x128xf32, #tpu.memory_space<vmem>>) target(%dma_start3A_165 : memref<128x128xf32, #tpu.memory_space<vmem_shared>>) target_semaphore(%run_scoped3A : memref<!tpu.dma_semaphore, #tpu.memory_space<semaphore_mem>>)
      %dma_wait3A_166 = arith.constant 0 : i32
      %dma_wait3A_167 = tpu.memref_slice %arg6[%add3A_24, %dma_wait3A_166] : memref<10240x128xf32, #tpu.memory_space<vmem_shared>> -> memref<128x128xf32, #tpu.memory_space<vmem_shared>>
      %dma_wait3A_168 = arith.constant 0 : i32
      %dma_wait3A_169 = tpu.memref_slice %arg6[%add3A_24, %dma_wait3A_168] : memref<10240x128xf32, #tpu.memory_space<vmem_shared>> -> memref<128x128xf32, #tpu.memory_space<vmem_shared>>
      tpu.wait_dma2 semaphore(%run_scoped3A : memref<!tpu.dma_semaphore, #tpu.memory_space<semaphore_mem>>) src(%arg10 : memref<128x128xf32, #tpu.memory_space<vmem>>) dst(%dma_wait3A_169 : memref<128x128xf32, #tpu.memory_space<vmem_shared>>)
      tpu.yield
    }) : () -> ()
    %add3A_25 = arith.constant 512 : i32
    %add3A_26 = arith.addi %mul3A_0, %add3A_25 : i32
    "tpu.region"() ({
      %run_scoped3A = tpu.sem_alloc : memref<!tpu.dma_semaphore, #tpu.memory_space<semaphore_mem>>
      %dma_start3A_162 = arith.constant 0 : i32
      %dma_start3A_163 = tpu.memref_slice %arg6[%add3A_26, %dma_start3A_162] : memref<10240x128xf32, #tpu.memory_space<vmem_shared>> -> memref<128x128xf32, #tpu.memory_space<vmem_shared>>
      %dma_start3A_164 = arith.constant 0 : i32
      %dma_start3A_165 = tpu.memref_slice %arg6[%add3A_26, %dma_start3A_164] : memref<10240x128xf32, #tpu.memory_space<vmem_shared>> -> memref<128x128xf32, #tpu.memory_space<vmem_shared>>
      tpu.enqueue_dma source(%arg10 : memref<128x128xf32, #tpu.memory_space<vmem>>) target(%dma_start3A_165 : memref<128x128xf32, #tpu.memory_space<vmem_shared>>) target_semaphore(%run_scoped3A : memref<!tpu.dma_semaphore, #tpu.memory_space<semaphore_mem>>)
      %dma_wait3A_166 = arith.constant 0 : i32
      %dma_wait3A_167 = tpu.memref_slice %arg6[%add3A_26, %dma_wait3A_166] : memref<10240x128xf32, #tpu.memory_space<vmem_shared>> -> memref<128x128xf32, #tpu.memory_space<vmem_shared>>
      %dma_wait3A_168 = arith.constant 0 : i32
      %dma_wait3A_169 = tpu.memref_slice %arg6[%add3A_26, %dma_wait3A_168] : memref<10240x128xf32, #tpu.memory_space<vmem_shared>> -> memref<128x128xf32, #tpu.memory_space<vmem_shared>>
      tpu.wait_dma2 semaphore(%run_scoped3A : memref<!tpu.dma_semaphore, #tpu.memory_space<semaphore_mem>>) src(%arg10 : memref<128x128xf32, #tpu.memory_space<vmem>>) dst(%dma_wait3A_169 : memref<128x128xf32, #tpu.memory_space<vmem_shared>>)
      tpu.yield
    }) : () -> ()
    %broadcast_in_dim3A_27 = arith.constant 0.000000e+00 : f32
    %broadcast_in_dim3A_28 = vector.broadcast %broadcast_in_dim3A_27 : f32 to vector<16xf32>
    %scan3A_29 = arith.constant 0 : i32
    %scan3A_30 = arith.constant 0 : i32
    %scan3A_31 = arith.constant 40 : i32
    %scan3A_32 = arith.addi %scan3A_30, %scan3A_31 : i32
    %scan3A_33 = arith.constant 1 : i32
    scf.for %scan3A_162 = %scan3A_30 to %scan3A_32 step %scan3A_33  : i32 {
      %mul3A_163 = arith.constant 16 : i32
      %mul3A_164 = arith.muli %scan3A_162, %mul3A_163 : i32
      %swap3A = arith.index_cast %mul3A_164 : i32 to index
      %swap3A_165 = tpu.vector_load %arg13[%swap3A] {strides = array<i32>} : memref<640xf32, #tpu.memory_space<vmem>>, vector<16xf32>,
      %swap3A_166 = vector.shape_cast %swap3A_165 : vector<16xf32> to vector<16xf32>
      %swap3A_167 = vector.shape_cast %broadcast_in_dim3A_28 : vector<16xf32> to vector<16xf32>
      tpu.vector_store %arg13[%swap3A], %swap3A_167 {strides = array<i32>} : memref<640xf32, #tpu.memory_space<vmem>>, vector<16xf32>,
    }
    %scan3A_34 = arith.constant 40 : i32
    "tpu.region"() ({
      %run_scoped3A = tpu.sem_alloc : memref<!tpu.dma_semaphore, #tpu.memory_space<semaphore_mem>>
      %dma_start3A_162 = tpu.memref_slice %arg7[%mul3A_0] : memref<10240xf32, #tpu.memory_space<vmem_shared>> -> memref<640xf32, #tpu.memory_space<vmem_shared>>
      %dma_start3A_163 = tpu.memref_slice %arg7[%mul3A_0] : memref<10240xf32, #tpu.memory_space<vmem_shared>> -> memref<640xf32, #tpu.memory_space<vmem_shared>>
      tpu.enqueue_dma source(%arg13 : memref<640xf32, #tpu.memory_space<vmem>>) target(%dma_start3A_163 : memref<640xf32, #tpu.memory_space<vmem_shared>>) target_semaphore(%run_scoped3A : memref<!tpu.dma_semaphore, #tpu.memory_space<semaphore_mem>>)
      %dma_wait3A_164 = tpu.memref_slice %arg7[%mul3A_0] : memref<10240xf32, #tpu.memory_space<vmem_shared>> -> memref<640xf32, #tpu.memory_space<vmem_shared>>
      %dma_wait3A_165 = tpu.memref_slice %arg7[%mul3A_0] : memref<10240xf32, #tpu.memory_space<vmem_shared>> -> memref<640xf32, #tpu.memory_space<vmem_shared>>
      tpu.wait_dma2 semaphore(%run_scoped3A : memref<!tpu.dma_semaphore, #tpu.memory_space<semaphore_mem>>) src(%arg13 : memref<640xf32, #tpu.memory_space<vmem>>) dst(%dma_wait3A_165 : memref<640xf32, #tpu.memory_space<vmem_shared>>)
      tpu.yield
    }) : () -> ()
    %broadcast_in_dim3A_35 = arith.constant 1.000000e+00 : f32
    %broadcast_in_dim3A_36 = vector.broadcast %broadcast_in_dim3A_35 : f32 to vector<16xf32>
    %scan3A_37 = arith.constant 0 : i32
    %scan3A_38 = arith.constant 0 : i32
    %scan3A_39 = arith.constant 8 : i32
    %scan3A_40 = arith.addi %scan3A_38, %scan3A_39 : i32
    %scan3A_41 = arith.constant 1 : i32
    scf.for %scan3A_162 = %scan3A_38 to %scan3A_40 step %scan3A_41  : i32 {
      %mul3A_163 = arith.constant 16 : i32
      %mul3A_164 = arith.muli %scan3A_162, %mul3A_163 : i32
      %swap3A = arith.index_cast %mul3A_164 : i32 to index
      %swap3A_165 = tpu.vector_load %arg12[%swap3A] {strides = array<i32>} : memref<128xf32, #tpu.memory_space<vmem>>, vector<16xf32>,
      %swap3A_166 = vector.shape_cast %swap3A_165 : vector<16xf32> to vector<16xf32>
      %swap3A_167 = vector.shape_cast %broadcast_in_dim3A_36 : vector<16xf32> to vector<16xf32>
      tpu.vector_store %arg12[%swap3A], %swap3A_167 {strides = array<i32>} : memref<128xf32, #tpu.memory_space<vmem>>, vector<16xf32>,
    }
    %scan3A_42 = arith.constant 8 : i32
    %add3A_43 = arith.constant 0 : i32
    %add3A_44 = arith.addi %select_n3A_10, %add3A_43 : i32
    %mul3A_45 = arith.constant 2 : i32
    %mul3A_46 = arith.muli %mul3A_45, %add3A_44 : i32
    "tpu.region"() ({
      %run_scoped3A = tpu.sem_alloc : memref<!tpu.dma_semaphore, #tpu.memory_space<semaphore_mem>>
      %dma_start3A_162 = arith.constant 0 : i32
      %dma_start3A_163 = tpu.memref_slice %arg3[%mul3A_46, %dma_start3A_162] : memref<5120x128xi32, #tpu.memory_space<hbm>> -> memref<2x128xi32, #tpu.memory_space<hbm>>
      %dma_start3A_164 = arith.constant 0 : i32
      %dma_start3A_165 = tpu.memref_slice %arg3[%mul3A_46, %dma_start3A_164] : memref<5120x128xi32, #tpu.memory_space<hbm>> -> memref<2x128xi32, #tpu.memory_space<hbm>>
      tpu.enqueue_dma source(%dma_start3A_165 : memref<2x128xi32, #tpu.memory_space<hbm>>) target(%arg8 : memref<2x128xi32, #tpu.memory_space<vmem>>) target_semaphore(%run_scoped3A : memref<!tpu.dma_semaphore, #tpu.memory_space<semaphore_mem>>)
      %dma_wait3A_166 = arith.constant 0 : i32
      %dma_wait3A_167 = tpu.memref_slice %arg3[%mul3A_46, %dma_wait3A_166] : memref<5120x128xi32, #tpu.memory_space<hbm>> -> memref<2x128xi32, #tpu.memory_space<hbm>>
      %dma_wait3A_168 = arith.constant 0 : i32
      %dma_wait3A_169 = tpu.memref_slice %arg3[%mul3A_46, %dma_wait3A_168] : memref<5120x128xi32, #tpu.memory_space<hbm>> -> memref<2x128xi32, #tpu.memory_space<hbm>>
      tpu.wait_dma2 semaphore(%run_scoped3A : memref<!tpu.dma_semaphore, #tpu.memory_space<semaphore_mem>>) src(%dma_wait3A_169 : memref<2x128xi32, #tpu.memory_space<hbm>>) dst(%arg8 : memref<2x128xi32, #tpu.memory_space<vmem>>)
      tpu.yield
    }) : () -> ()
    %dma_start3A = arith.constant 0 : i32
    %dma_start3A_47 = arith.constant 0 : i32
    %dma_start3A_48 = tpu.memref_slice %arg8[%dma_start3A, %dma_start3A_47] : memref<2x128xi32, #tpu.memory_space<vmem>> -> memref<1x128xi32, #tpu.memory_space<vmem>>
    %dma_start3A_49 = tpu.memref_squeeze %dma_start3A_48 : memref<1x128xi32, #tpu.memory_space<vmem>> -> memref<128xi32, #tpu.memory_space<vmem>>
    %dma_start3A_50 = arith.constant 0 : i32
    %dma_start3A_51 = arith.constant 0 : i32
    %dma_start3A_52 = tpu.memref_slice %arg2[%dma_start3A_50, %dma_start3A_51] : memref<10000x128xf32, #tpu.memory_space<hbm>> -> memref<10000x128xf32, #tpu.memory_space<hbm>>
    tpu.enqueue_indirect_dma source(%dma_start3A_52 : memref<10000x128xf32, #tpu.memory_space<hbm>>) target(%arg10 : memref<128x128xf32, #tpu.memory_space<vmem>>) offsets(%dma_start3A_49 : memref<128xi32, #tpu.memory_space<vmem>>) semaphore(%arg14 : memref<!tpu.dma_semaphore, #tpu.memory_space<semaphore_mem>>)
    %add3A_53 = arith.constant 1 : i32
    %add3A_54 = arith.addi %select_n3A_10, %add3A_53 : i32
    %mul3A_55 = arith.constant 2 : i32
    %mul3A_56 = arith.muli %mul3A_55, %add3A_54 : i32
    "tpu.region"() ({
      %run_scoped3A = tpu.sem_alloc : memref<!tpu.dma_semaphore, #tpu.memory_space<semaphore_mem>>
      %dma_start3A_162 = arith.constant 0 : i32
      %dma_start3A_163 = tpu.memref_slice %arg3[%mul3A_56, %dma_start3A_162] : memref<5120x128xi32, #tpu.memory_space<hbm>> -> memref<2x128xi32, #tpu.memory_space<hbm>>
      %dma_start3A_164 = arith.constant 0 : i32
      %dma_start3A_165 = tpu.memref_slice %arg3[%mul3A_56, %dma_start3A_164] : memref<5120x128xi32, #tpu.memory_space<hbm>> -> memref<2x128xi32, #tpu.memory_space<hbm>>
      tpu.enqueue_dma source(%dma_start3A_165 : memref<2x128xi32, #tpu.memory_space<hbm>>) target(%arg9 : memref<2x128xi32, #tpu.memory_space<vmem>>) target_semaphore(%run_scoped3A : memref<!tpu.dma_semaphore, #tpu.memory_space<semaphore_mem>>)
      %dma_wait3A_166 = arith.constant 0 : i32
      %dma_wait3A_167 = tpu.memref_slice %arg3[%mul3A_56, %dma_wait3A_166] : memref<5120x128xi32, #tpu.memory_space<hbm>> -> memref<2x128xi32, #tpu.memory_space<hbm>>
      %dma_wait3A_168 = arith.constant 0 : i32
      %dma_wait3A_169 = tpu.memref_slice %arg3[%mul3A_56, %dma_wait3A_168] : memref<5120x128xi32, #tpu.memory_space<hbm>> -> memref<2x128xi32, #tpu.memory_space<hbm>>
      tpu.wait_dma2 semaphore(%run_scoped3A : memref<!tpu.dma_semaphore, #tpu.memory_space<semaphore_mem>>) src(%dma_wait3A_169 : memref<2x128xi32, #tpu.memory_space<hbm>>) dst(%arg9 : memref<2x128xi32, #tpu.memory_space<vmem>>)
      tpu.yield
    }) : () -> ()
    %dma_start3A_57 = arith.constant 0 : i32
    %dma_start3A_58 = arith.constant 0 : i32
    %dma_start3A_59 = tpu.memref_slice %arg9[%dma_start3A_57, %dma_start3A_58] : memref<2x128xi32, #tpu.memory_space<vmem>> -> memref<1x128xi32, #tpu.memory_space<vmem>>
    %dma_start3A_60 = tpu.memref_squeeze %dma_start3A_59 : memref<1x128xi32, #tpu.memory_space<vmem>> -> memref<128xi32, #tpu.memory_space<vmem>>
    %dma_start3A_61 = arith.constant 0 : i32
    %dma_start3A_62 = arith.constant 0 : i32
    %dma_start3A_63 = tpu.memref_slice %arg2[%dma_start3A_61, %dma_start3A_62] : memref<10000x128xf32, #tpu.memory_space<hbm>> -> memref<10000x128xf32, #tpu.memory_space<hbm>>
    tpu.enqueue_indirect_dma source(%dma_start3A_63 : memref<10000x128xf32, #tpu.memory_space<hbm>>) target(%arg11 : memref<128x128xf32, #tpu.memory_space<vmem>>) offsets(%dma_start3A_60 : memref<128xi32, #tpu.memory_space<vmem>>) semaphore(%arg15 : memref<!tpu.dma_semaphore, #tpu.memory_space<semaphore_mem>>)
    %barrier3A = arith.constant 0 : index
    tpu.barrier barrier_id(%barrier3A)
    %dma_wait3A = arith.constant 0 : i32
    %dma_wait3A_64 = arith.constant 0 : i32
    %dma_wait3A_65 = tpu.memref_slice %arg8[%dma_wait3A, %dma_wait3A_64] : memref<2x128xi32, #tpu.memory_space<vmem>> -> memref<1x128xi32, #tpu.memory_space<vmem>>
    %dma_wait3A_66 = tpu.memref_squeeze %dma_wait3A_65 : memref<1x128xi32, #tpu.memory_space<vmem>> -> memref<128xi32, #tpu.memory_space<vmem>>
    %dma_wait3A_67 = arith.constant 0 : i32
    %dma_wait3A_68 = arith.constant 0 : i32
    %dma_wait3A_69 = tpu.memref_slice %arg2[%dma_wait3A_67, %dma_wait3A_68] : memref<10000x128xf32, #tpu.memory_space<hbm>> -> memref<10000x128xf32, #tpu.memory_space<hbm>>
    tpu.wait_indirect_dma semaphore(%arg14 : memref<!tpu.dma_semaphore, #tpu.memory_space<semaphore_mem>>) src(%dma_wait3A_69 : memref<10000x128xf32, #tpu.memory_space<hbm>>) dst(%arg10 : memref<128x128xf32, #tpu.memory_space<vmem>>)
    %dma_start3A_70 = arith.constant 1 : i32
    %dma_start3A_71 = arith.constant 0 : i32
    %dma_start3A_72 = tpu.memref_slice %arg8[%dma_start3A_70, %dma_start3A_71] : memref<2x128xi32, #tpu.memory_space<vmem>> -> memref<1x128xi32, #tpu.memory_space<vmem>>
    %dma_start3A_73 = tpu.memref_squeeze %dma_start3A_72 : memref<1x128xi32, #tpu.memory_space<vmem>> -> memref<128xi32, #tpu.memory_space<vmem>>
    %dma_start3A_74 = arith.constant 0 : i32
    %dma_start3A_75 = arith.constant 0 : i32
    %dma_start3A_76 = tpu.memref_slice %arg6[%dma_start3A_74, %dma_start3A_75] : memref<10240x128xf32, #tpu.memory_space<vmem_shared>> -> memref<10240x128xf32, #tpu.memory_space<vmem_shared>>
    tpu.enqueue_indirect_dma source(%arg10 : memref<128x128xf32, #tpu.memory_space<vmem>>) target(%dma_start3A_76 : memref<10240x128xf32, #tpu.memory_space<vmem_shared>>) offsets(%dma_start3A_73 : memref<128xi32, #tpu.memory_space<vmem>>) semaphore(%arg16 : memref<!tpu.dma_semaphore, #tpu.memory_space<semaphore_mem>>) {add = true}
    %dma_start3A_77 = arith.constant 1 : i32
    %dma_start3A_78 = arith.constant 0 : i32
    %dma_start3A_79 = tpu.memref_slice %arg8[%dma_start3A_77, %dma_start3A_78] : memref<2x128xi32, #tpu.memory_space<vmem>> -> memref<1x128xi32, #tpu.memory_space<vmem>>
    %dma_start3A_80 = tpu.memref_squeeze %dma_start3A_79 : memref<1x128xi32, #tpu.memory_space<vmem>> -> memref<128xi32, #tpu.memory_space<vmem>>
    %dma_start3A_81 = arith.constant 0 : i32
    %dma_start3A_82 = tpu.memref_slice %arg7[%dma_start3A_81] : memref<10240xf32, #tpu.memory_space<vmem_shared>> -> memref<10240xf32, #tpu.memory_space<vmem_shared>>
    tpu.enqueue_indirect_dma source(%arg12 : memref<128xf32, #tpu.memory_space<vmem>>) target(%dma_start3A_82 : memref<10240xf32, #tpu.memory_space<vmem_shared>>) offsets(%dma_start3A_80 : memref<128xi32, #tpu.memory_space<vmem>>) semaphore(%arg18 : memref<!tpu.dma_semaphore, #tpu.memory_space<semaphore_mem>>) {add = true}
    %sub3A = arith.constant 2 : i32
    %sub3A_83 = arith.subi %select_n3A, %sub3A : i32
    %jit3A_84 = arith.constant 2 : i32
    %div3A = arith.divsi %sub3A_83, %jit3A_84 : i32
    %sign3A = arith.constant 0 : i32
    %sign3A_85 = arith.cmpi sgt, %sub3A_83, %sign3A : i32
    %sign3A_86 = arith.extui %sign3A_85 : i1 to i32
    %sign3A_87 = arith.constant 0 : i32
    %sign3A_88 = arith.cmpi slt, %sub3A_83, %sign3A_87 : i32
    %sign3A_89 = arith.extui %sign3A_88 : i1 to i32
    %sign3A_90 = arith.subi %sign3A_86, %sign3A_89 : i32
    %sign3A_91 = arith.constant 0 : i32
    %sign3A_92 = arith.cmpi sgt, %jit3A_84, %sign3A_91 : i32
    %sign3A_93 = arith.extui %sign3A_92 : i1 to i32
    %sign3A_94 = arith.constant 0 : i32
    %sign3A_95 = arith.cmpi slt, %jit3A_84, %sign3A_94 : i32
    %sign3A_96 = arith.extui %sign3A_95 : i1 to i32
    %sign3A_97 = arith.subi %sign3A_93, %sign3A_96 : i32
    %ne3A = arith.cmpi ne, %sign3A_90, %sign3A_97 : i32
    %rem3A = arith.remsi %sub3A_83, %jit3A_84 : i32
    %ne3A_98 = arith.constant 0 : i32
    %ne3A_99 = arith.cmpi ne, %rem3A, %ne3A_98 : i32
    %and3A = arith.andi %ne3A, %ne3A_99 : i1
    %sub3A_100 = arith.constant 1 : i32
    %sub3A_101 = arith.subi %div3A, %sub3A_100 : i32
    %select_n3A_102 = arith.select %and3A, %sub3A_101, %div3A : i32
    %while3A = arith.constant 0 : i32
    %while3A_103 = arith.constant 0 : i32
    %while3A_104 = arith.subi %select_n3A_102, %while3A_103 : i32
    %while3A_105 = arith.addi %while3A_103, %while3A_104 : i32
    %while3A_106 = arith.constant 1 : i32
    %while3A_107 = arith.divsi %while3A_104, %while3A_106 : i32
    %while3A_108 = arith.muli %while3A_107, %while3A_106 : i32
    %while3A_109 = arith.addi %while3A_103, %while3A_108 : i32
    %while3A_110 = arith.constant 1 : i32
    scf.for %while3A_162 = %while3A_103 to %while3A_109 step %while3A_110  : i32 {
      %mul3A_163 = arith.constant 2 : i32
      %mul3A_164 = arith.muli %mul3A_163, %while3A_162 : i32
      %add3A_165 = arith.constant 1 : i32
      %add3A_166 = arith.addi %mul3A_164, %add3A_165 : i32
      %dma_wait3A_167 = arith.constant 1 : i32
      %dma_wait3A_168 = arith.constant 0 : i32
      %dma_wait3A_169 = tpu.memref_slice %arg8[%dma_wait3A_167, %dma_wait3A_168] : memref<2x128xi32, #tpu.memory_space<vmem>> -> memref<1x128xi32, #tpu.memory_space<vmem>>
      %dma_wait3A_170 = tpu.memref_squeeze %dma_wait3A_169 : memref<1x128xi32, #tpu.memory_space<vmem>> -> memref<128xi32, #tpu.memory_space<vmem>>
      %dma_wait3A_171 = arith.constant 0 : i32
      %dma_wait3A_172 = arith.constant 0 : i32
      %dma_wait3A_173 = tpu.memref_slice %arg6[%dma_wait3A_171, %dma_wait3A_172] : memref<10240x128xf32, #tpu.memory_space<vmem_shared>> -> memref<10240x128xf32, #tpu.memory_space<vmem_shared>>
      tpu.wait_indirect_dma semaphore(%arg16 : memref<!tpu.dma_semaphore, #tpu.memory_space<semaphore_mem>>) src(%arg10 : memref<128x128xf32, #tpu.memory_space<vmem>>) dst(%dma_wait3A_173 : memref<10240x128xf32, #tpu.memory_space<vmem_shared>>)
      %dma_wait3A_174 = arith.constant 1 : i32
      %dma_wait3A_175 = arith.constant 0 : i32
      %dma_wait3A_176 = tpu.memref_slice %arg8[%dma_wait3A_174, %dma_wait3A_175] : memref<2x128xi32, #tpu.memory_space<vmem>> -> memref<1x128xi32, #tpu.memory_space<vmem>>
      %dma_wait3A_177 = tpu.memref_squeeze %dma_wait3A_176 : memref<1x128xi32, #tpu.memory_space<vmem>> -> memref<128xi32, #tpu.memory_space<vmem>>
      %dma_wait3A_178 = arith.constant 0 : i32
      %dma_wait3A_179 = tpu.memref_slice %arg7[%dma_wait3A_178] : memref<10240xf32, #tpu.memory_space<vmem_shared>> -> memref<10240xf32, #tpu.memory_space<vmem_shared>>
      tpu.wait_indirect_dma semaphore(%arg18 : memref<!tpu.dma_semaphore, #tpu.memory_space<semaphore_mem>>) src(%arg12 : memref<128xf32, #tpu.memory_space<vmem>>) dst(%dma_wait3A_179 : memref<10240xf32, #tpu.memory_space<vmem_shared>>)
      %add3A_180 = arith.constant 1 : i32
      %add3A_181 = arith.addi %add3A_166, %add3A_180 : i32
      %add3A_182 = arith.addi %select_n3A_10, %add3A_181 : i32
      %mul3A_183 = arith.constant 2 : i32
      %mul3A_184 = arith.muli %mul3A_183, %add3A_182 : i32
      "tpu.region"() ({
        %run_scoped3A = tpu.sem_alloc : memref<!tpu.dma_semaphore, #tpu.memory_space<semaphore_mem>>
        %dma_start3A_261 = arith.constant 0 : i32
        %dma_start3A_262 = tpu.memref_slice %arg3[%mul3A_184, %dma_start3A_261] : memref<5120x128xi32, #tpu.memory_space<hbm>> -> memref<2x128xi32, #tpu.memory_space<hbm>>
        %dma_start3A_263 = arith.constant 0 : i32
        %dma_start3A_264 = tpu.memref_slice %arg3[%mul3A_184, %dma_start3A_263] : memref<5120x128xi32, #tpu.memory_space<hbm>> -> memref<2x128xi32, #tpu.memory_space<hbm>>
        tpu.enqueue_dma source(%dma_start3A_264 : memref<2x128xi32, #tpu.memory_space<hbm>>) target(%arg8 : memref<2x128xi32, #tpu.memory_space<vmem>>) target_semaphore(%run_scoped3A : memref<!tpu.dma_semaphore, #tpu.memory_space<semaphore_mem>>)
        %dma_wait3A_265 = arith.constant 0 : i32
        %dma_wait3A_266 = tpu.memref_slice %arg3[%mul3A_184, %dma_wait3A_265] : memref<5120x128xi32, #tpu.memory_space<hbm>> -> memref<2x128xi32, #tpu.memory_space<hbm>>
        %dma_wait3A_267 = arith.constant 0 : i32
        %dma_wait3A_268 = tpu.memref_slice %arg3[%mul3A_184, %dma_wait3A_267] : memref<5120x128xi32, #tpu.memory_space<hbm>> -> memref<2x128xi32, #tpu.memory_space<hbm>>
        tpu.wait_dma2 semaphore(%run_scoped3A : memref<!tpu.dma_semaphore, #tpu.memory_space<semaphore_mem>>) src(%dma_wait3A_268 : memref<2x128xi32, #tpu.memory_space<hbm>>) dst(%arg8 : memref<2x128xi32, #tpu.memory_space<vmem>>)
        tpu.yield
      }) : () -> ()
      %dma_start3A_185 = arith.constant 0 : i32
      %dma_start3A_186 = arith.constant 0 : i32
      %dma_start3A_187 = tpu.memref_slice %arg8[%dma_start3A_185, %dma_start3A_186] : memref<2x128xi32, #tpu.memory_space<vmem>> -> memref<1x128xi32, #tpu.memory_space<vmem>>
      %dma_start3A_188 = tpu.memref_squeeze %dma_start3A_187 : memref<1x128xi32, #tpu.memory_space<vmem>> -> memref<128xi32, #tpu.memory_space<vmem>>
      %dma_start3A_189 = arith.constant 0 : i32
      %dma_start3A_190 = arith.constant 0 : i32
      %dma_start3A_191 = tpu.memref_slice %arg2[%dma_start3A_189, %dma_start3A_190] : memref<10000x128xf32, #tpu.memory_space<hbm>> -> memref<10000x128xf32, #tpu.memory_space<hbm>>
      tpu.enqueue_indirect_dma source(%dma_start3A_191 : memref<10000x128xf32, #tpu.memory_space<hbm>>) target(%arg10 : memref<128x128xf32, #tpu.memory_space<vmem>>) offsets(%dma_start3A_188 : memref<128xi32, #tpu.memory_space<vmem>>) semaphore(%arg14 : memref<!tpu.dma_semaphore, #tpu.memory_space<semaphore_mem>>)
      %dma_wait3A_192 = arith.constant 0 : i32
      %dma_wait3A_193 = arith.constant 0 : i32
      %dma_wait3A_194 = tpu.memref_slice %arg9[%dma_wait3A_192, %dma_wait3A_193] : memref<2x128xi32, #tpu.memory_space<vmem>> -> memref<1x128xi32, #tpu.memory_space<vmem>>
      %dma_wait3A_195 = tpu.memref_squeeze %dma_wait3A_194 : memref<1x128xi32, #tpu.memory_space<vmem>> -> memref<128xi32, #tpu.memory_space<vmem>>
      %dma_wait3A_196 = arith.constant 0 : i32
      %dma_wait3A_197 = arith.constant 0 : i32
      %dma_wait3A_198 = tpu.memref_slice %arg2[%dma_wait3A_196, %dma_wait3A_197] : memref<10000x128xf32, #tpu.memory_space<hbm>> -> memref<10000x128xf32, #tpu.memory_space<hbm>>
      tpu.wait_indirect_dma semaphore(%arg15 : memref<!tpu.dma_semaphore, #tpu.memory_space<semaphore_mem>>) src(%dma_wait3A_198 : memref<10000x128xf32, #tpu.memory_space<hbm>>) dst(%arg11 : memref<128x128xf32, #tpu.memory_space<vmem>>)
      %dma_start3A_199 = arith.constant 1 : i32
      %dma_start3A_200 = arith.constant 0 : i32
      %dma_start3A_201 = tpu.memref_slice %arg9[%dma_start3A_199, %dma_start3A_200] : memref<2x128xi32, #tpu.memory_space<vmem>> -> memref<1x128xi32, #tpu.memory_space<vmem>>
      %dma_start3A_202 = tpu.memref_squeeze %dma_start3A_201 : memref<1x128xi32, #tpu.memory_space<vmem>> -> memref<128xi32, #tpu.memory_space<vmem>>
      %dma_start3A_203 = arith.constant 0 : i32
      %dma_start3A_204 = arith.constant 0 : i32
      %dma_start3A_205 = tpu.memref_slice %arg6[%dma_start3A_203, %dma_start3A_204] : memref<10240x128xf32, #tpu.memory_space<vmem_shared>> -> memref<10240x128xf32, #tpu.memory_space<vmem_shared>>
      tpu.enqueue_indirect_dma source(%arg11 : memref<128x128xf32, #tpu.memory_space<vmem>>) target(%dma_start3A_205 : memref<10240x128xf32, #tpu.memory_space<vmem_shared>>) offsets(%dma_start3A_202 : memref<128xi32, #tpu.memory_space<vmem>>) semaphore(%arg17 : memref<!tpu.dma_semaphore, #tpu.memory_space<semaphore_mem>>) {add = true}
      %dma_start3A_206 = arith.constant 1 : i32
      %dma_start3A_207 = arith.constant 0 : i32
      %dma_start3A_208 = tpu.memref_slice %arg9[%dma_start3A_206, %dma_start3A_207] : memref<2x128xi32, #tpu.memory_space<vmem>> -> memref<1x128xi32, #tpu.memory_space<vmem>>
      %dma_start3A_209 = tpu.memref_squeeze %dma_start3A_208 : memref<1x128xi32, #tpu.memory_space<vmem>> -> memref<128xi32, #tpu.memory_space<vmem>>
      %dma_start3A_210 = arith.constant 0 : i32
      %dma_start3A_211 = tpu.memref_slice %arg7[%dma_start3A_210] : memref<10240xf32, #tpu.memory_space<vmem_shared>> -> memref<10240xf32, #tpu.memory_space<vmem_shared>>
      tpu.enqueue_indirect_dma source(%arg12 : memref<128xf32, #tpu.memory_space<vmem>>) target(%dma_start3A_211 : memref<10240xf32, #tpu.memory_space<vmem_shared>>) offsets(%dma_start3A_209 : memref<128xi32, #tpu.memory_space<vmem>>) semaphore(%arg19 : memref<!tpu.dma_semaphore, #tpu.memory_space<semaphore_mem>>) {add = true}
      %mul3A_212 = arith.constant 2 : i32
      %mul3A_213 = arith.muli %mul3A_212, %while3A_162 : i32
      %add3A_214 = arith.constant 2 : i32
      %add3A_215 = arith.addi %mul3A_213, %add3A_214 : i32
      %dma_wait3A_216 = arith.constant 1 : i32
      %dma_wait3A_217 = arith.constant 0 : i32
      %dma_wait3A_218 = tpu.memref_slice %arg9[%dma_wait3A_216, %dma_wait3A_217] : memref<2x128xi32, #tpu.memory_space<vmem>> -> memref<1x128xi32, #tpu.memory_space<vmem>>
      %dma_wait3A_219 = tpu.memref_squeeze %dma_wait3A_218 : memref<1x128xi32, #tpu.memory_space<vmem>> -> memref<128xi32, #tpu.memory_space<vmem>>
      %dma_wait3A_220 = arith.constant 0 : i32
      %dma_wait3A_221 = arith.constant 0 : i32
      %dma_wait3A_222 = tpu.memref_slice %arg6[%dma_wait3A_220, %dma_wait3A_221] : memref<10240x128xf32, #tpu.memory_space<vmem_shared>> -> memref<10240x128xf32, #tpu.memory_space<vmem_shared>>
      tpu.wait_indirect_dma semaphore(%arg17 : memref<!tpu.dma_semaphore, #tpu.memory_space<semaphore_mem>>) src(%arg11 : memref<128x128xf32, #tpu.memory_space<vmem>>) dst(%dma_wait3A_222 : memref<10240x128xf32, #tpu.memory_space<vmem_shared>>)
      %dma_wait3A_223 = arith.constant 1 : i32
      %dma_wait3A_224 = arith.constant 0 : i32
      %dma_wait3A_225 = tpu.memref_slice %arg9[%dma_wait3A_223, %dma_wait3A_224] : memref<2x128xi32, #tpu.memory_space<vmem>> -> memref<1x128xi32, #tpu.memory_space<vmem>>
      %dma_wait3A_226 = tpu.memref_squeeze %dma_wait3A_225 : memref<1x128xi32, #tpu.memory_space<vmem>> -> memref<128xi32, #tpu.memory_space<vmem>>
      %dma_wait3A_227 = arith.constant 0 : i32
      %dma_wait3A_228 = tpu.memref_slice %arg7[%dma_wait3A_227] : memref<10240xf32, #tpu.memory_space<vmem_shared>> -> memref<10240xf32, #tpu.memory_space<vmem_shared>>
      tpu.wait_indirect_dma semaphore(%arg19 : memref<!tpu.dma_semaphore, #tpu.memory_space<semaphore_mem>>) src(%arg12 : memref<128xf32, #tpu.memory_space<vmem>>) dst(%dma_wait3A_228 : memref<10240xf32, #tpu.memory_space<vmem_shared>>)
      %add3A_229 = arith.constant 1 : i32
      %add3A_230 = arith.addi %add3A_215, %add3A_229 : i32
      %add3A_231 = arith.addi %select_n3A_10, %add3A_230 : i32
      %mul3A_232 = arith.constant 2 : i32
      %mul3A_233 = arith.muli %mul3A_232, %add3A_231 : i32
      "tpu.region"() ({
        %run_scoped3A = tpu.sem_alloc : memref<!tpu.dma_semaphore, #tpu.memory_space<semaphore_mem>>
        %dma_start3A_261 = arith.constant 0 : i32
        %dma_start3A_262 = tpu.memref_slice %arg3[%mul3A_233, %dma_start3A_261] : memref<5120x128xi32, #tpu.memory_space<hbm>> -> memref<2x128xi32, #tpu.memory_space<hbm>>
        %dma_start3A_263 = arith.constant 0 : i32
        %dma_start3A_264 = tpu.memref_slice %arg3[%mul3A_233, %dma_start3A_263] : memref<5120x128xi32, #tpu.memory_space<hbm>> -> memref<2x128xi32, #tpu.memory_space<hbm>>
        tpu.enqueue_dma source(%dma_start3A_264 : memref<2x128xi32, #tpu.memory_space<hbm>>) target(%arg9 : memref<2x128xi32, #tpu.memory_space<vmem>>) target_semaphore(%run_scoped3A : memref<!tpu.dma_semaphore, #tpu.memory_space<semaphore_mem>>)
        %dma_wait3A_265 = arith.constant 0 : i32
        %dma_wait3A_266 = tpu.memref_slice %arg3[%mul3A_233, %dma_wait3A_265] : memref<5120x128xi32, #tpu.memory_space<hbm>> -> memref<2x128xi32, #tpu.memory_space<hbm>>
        %dma_wait3A_267 = arith.constant 0 : i32
        %dma_wait3A_268 = tpu.memref_slice %arg3[%mul3A_233, %dma_wait3A_267] : memref<5120x128xi32, #tpu.memory_space<hbm>> -> memref<2x128xi32, #tpu.memory_space<hbm>>
        tpu.wait_dma2 semaphore(%run_scoped3A : memref<!tpu.dma_semaphore, #tpu.memory_space<semaphore_mem>>) src(%dma_wait3A_268 : memref<2x128xi32, #tpu.memory_space<hbm>>) dst(%arg9 : memref<2x128xi32, #tpu.memory_space<vmem>>)
        tpu.yield
      }) : () -> ()
      %dma_start3A_234 = arith.constant 0 : i32
      %dma_start3A_235 = arith.constant 0 : i32
      %dma_start3A_236 = tpu.memref_slice %arg9[%dma_start3A_234, %dma_start3A_235] : memref<2x128xi32, #tpu.memory_space<vmem>> -> memref<1x128xi32, #tpu.memory_space<vmem>>
      %dma_start3A_237 = tpu.memref_squeeze %dma_start3A_236 : memref<1x128xi32, #tpu.memory_space<vmem>> -> memref<128xi32, #tpu.memory_space<vmem>>
      %dma_start3A_238 = arith.constant 0 : i32
      %dma_start3A_239 = arith.constant 0 : i32
      %dma_start3A_240 = tpu.memref_slice %arg2[%dma_start3A_238, %dma_start3A_239] : memref<10000x128xf32, #tpu.memory_space<hbm>> -> memref<10000x128xf32, #tpu.memory_space<hbm>>
      tpu.enqueue_indirect_dma source(%dma_start3A_240 : memref<10000x128xf32, #tpu.memory_space<hbm>>) target(%arg11 : memref<128x128xf32, #tpu.memory_space<vmem>>) offsets(%dma_start3A_237 : memref<128xi32, #tpu.memory_space<vmem>>) semaphore(%arg15 : memref<!tpu.dma_semaphore, #tpu.memory_space<semaphore_mem>>)
      %dma_wait3A_241 = arith.constant 0 : i32
      %dma_wait3A_242 = arith.constant 0 : i32
      %dma_wait3A_243 = tpu.memref_slice %arg8[%dma_wait3A_241, %dma_wait3A_242] : memref<2x128xi32, #tpu.memory_space<vmem>> -> memref<1x128xi32, #tpu.memory_space<vmem>>
      %dma_wait3A_244 = tpu.memref_squeeze %dma_wait3A_243 : memref<1x128xi32, #tpu.memory_space<vmem>> -> memref<128xi32, #tpu.memory_space<vmem>>
      %dma_wait3A_245 = arith.constant 0 : i32
      %dma_wait3A_246 = arith.constant 0 : i32
      %dma_wait3A_247 = tpu.memref_slice %arg2[%dma_wait3A_245, %dma_wait3A_246] : memref<10000x128xf32, #tpu.memory_space<hbm>> -> memref<10000x128xf32, #tpu.memory_space<hbm>>
      tpu.wait_indirect_dma semaphore(%arg14 : memref<!tpu.dma_semaphore, #tpu.memory_space<semaphore_mem>>) src(%dma_wait3A_247 : memref<10000x128xf32, #tpu.memory_space<hbm>>) dst(%arg10 : memref<128x128xf32, #tpu.memory_space<vmem>>)
      %dma_start3A_248 = arith.constant 1 : i32
      %dma_start3A_249 = arith.constant 0 : i32
      %dma_start3A_250 = tpu.memref_slice %arg8[%dma_start3A_248, %dma_start3A_249] : memref<2x128xi32, #tpu.memory_space<vmem>> -> memref<1x128xi32, #tpu.memory_space<vmem>>
      %dma_start3A_251 = tpu.memref_squeeze %dma_start3A_250 : memref<1x128xi32, #tpu.memory_space<vmem>> -> memref<128xi32, #tpu.memory_space<vmem>>
      %dma_start3A_252 = arith.constant 0 : i32
      %dma_start3A_253 = arith.constant 0 : i32
      %dma_start3A_254 = tpu.memref_slice %arg6[%dma_start3A_252, %dma_start3A_253] : memref<10240x128xf32, #tpu.memory_space<vmem_shared>> -> memref<10240x128xf32, #tpu.memory_space<vmem_shared>>
      tpu.enqueue_indirect_dma source(%arg10 : memref<128x128xf32, #tpu.memory_space<vmem>>) target(%dma_start3A_254 : memref<10240x128xf32, #tpu.memory_space<vmem_shared>>) offsets(%dma_start3A_251 : memref<128xi32, #tpu.memory_space<vmem>>) semaphore(%arg16 : memref<!tpu.dma_semaphore, #tpu.memory_space<semaphore_mem>>) {add = true}
      %dma_start3A_255 = arith.constant 1 : i32
      %dma_start3A_256 = arith.constant 0 : i32
      %dma_start3A_257 = tpu.memref_slice %arg8[%dma_start3A_255, %dma_start3A_256] : memref<2x128xi32, #tpu.memory_space<vmem>> -> memref<1x128xi32, #tpu.memory_space<vmem>>
      %dma_start3A_258 = tpu.memref_squeeze %dma_start3A_257 : memref<1x128xi32, #tpu.memory_space<vmem>> -> memref<128xi32, #tpu.memory_space<vmem>>
      %dma_start3A_259 = arith.constant 0 : i32
      %dma_start3A_260 = tpu.memref_slice %arg7[%dma_start3A_259] : memref<10240xf32, #tpu.memory_space<vmem_shared>> -> memref<10240xf32, #tpu.memory_space<vmem_shared>>
      tpu.enqueue_indirect_dma source(%arg12 : memref<128xf32, #tpu.memory_space<vmem>>) target(%dma_start3A_260 : memref<10240xf32, #tpu.memory_space<vmem_shared>>) offsets(%dma_start3A_258 : memref<128xi32, #tpu.memory_space<vmem>>) semaphore(%arg18 : memref<!tpu.dma_semaphore, #tpu.memory_space<semaphore_mem>>) {add = true}
    }
    %while3A_111 = arith.constant 1 : i32
    scf.for %while3A_162 = %while3A_109 to %while3A_105 step %while3A_111  : i32 {
      %mul3A_163 = arith.constant 2 : i32
      %mul3A_164 = arith.muli %mul3A_163, %while3A_162 : i32
      %add3A_165 = arith.constant 1 : i32
      %add3A_166 = arith.addi %mul3A_164, %add3A_165 : i32
      %dma_wait3A_167 = arith.constant 1 : i32
      %dma_wait3A_168 = arith.constant 0 : i32
      %dma_wait3A_169 = tpu.memref_slice %arg8[%dma_wait3A_167, %dma_wait3A_168] : memref<2x128xi32, #tpu.memory_space<vmem>> -> memref<1x128xi32, #tpu.memory_space<vmem>>
      %dma_wait3A_170 = tpu.memref_squeeze %dma_wait3A_169 : memref<1x128xi32, #tpu.memory_space<vmem>> -> memref<128xi32, #tpu.memory_space<vmem>>
      %dma_wait3A_171 = arith.constant 0 : i32
      %dma_wait3A_172 = arith.constant 0 : i32
      %dma_wait3A_173 = tpu.memref_slice %arg6[%dma_wait3A_171, %dma_wait3A_172] : memref<10240x128xf32, #tpu.memory_space<vmem_shared>> -> memref<10240x128xf32, #tpu.memory_space<vmem_shared>>
      tpu.wait_indirect_dma semaphore(%arg16 : memref<!tpu.dma_semaphore, #tpu.memory_space<semaphore_mem>>) src(%arg10 : memref<128x128xf32, #tpu.memory_space<vmem>>) dst(%dma_wait3A_173 : memref<10240x128xf32, #tpu.memory_space<vmem_shared>>)
      %dma_wait3A_174 = arith.constant 1 : i32
      %dma_wait3A_175 = arith.constant 0 : i32
      %dma_wait3A_176 = tpu.memref_slice %arg8[%dma_wait3A_174, %dma_wait3A_175] : memref<2x128xi32, #tpu.memory_space<vmem>> -> memref<1x128xi32, #tpu.memory_space<vmem>>
      %dma_wait3A_177 = tpu.memref_squeeze %dma_wait3A_176 : memref<1x128xi32, #tpu.memory_space<vmem>> -> memref<128xi32, #tpu.memory_space<vmem>>
      %dma_wait3A_178 = arith.constant 0 : i32
      %dma_wait3A_179 = tpu.memref_slice %arg7[%dma_wait3A_178] : memref<10240xf32, #tpu.memory_space<vmem_shared>> -> memref<10240xf32, #tpu.memory_space<vmem_shared>>
      tpu.wait_indirect_dma semaphore(%arg18 : memref<!tpu.dma_semaphore, #tpu.memory_space<semaphore_mem>>) src(%arg12 : memref<128xf32, #tpu.memory_space<vmem>>) dst(%dma_wait3A_179 : memref<10240xf32, #tpu.memory_space<vmem_shared>>)
      %add3A_180 = arith.constant 1 : i32
      %add3A_181 = arith.addi %add3A_166, %add3A_180 : i32
      %add3A_182 = arith.addi %select_n3A_10, %add3A_181 : i32
      %mul3A_183 = arith.constant 2 : i32
      %mul3A_184 = arith.muli %mul3A_183, %add3A_182 : i32
      "tpu.region"() ({
        %run_scoped3A = tpu.sem_alloc : memref<!tpu.dma_semaphore, #tpu.memory_space<semaphore_mem>>
        %dma_start3A_261 = arith.constant 0 : i32
        %dma_start3A_262 = tpu.memref_slice %arg3[%mul3A_184, %dma_start3A_261] : memref<5120x128xi32, #tpu.memory_space<hbm>> -> memref<2x128xi32, #tpu.memory_space<hbm>>
        %dma_start3A_263 = arith.constant 0 : i32
        %dma_start3A_264 = tpu.memref_slice %arg3[%mul3A_184, %dma_start3A_263] : memref<5120x128xi32, #tpu.memory_space<hbm>> -> memref<2x128xi32, #tpu.memory_space<hbm>>
        tpu.enqueue_dma source(%dma_start3A_264 : memref<2x128xi32, #tpu.memory_space<hbm>>) target(%arg8 : memref<2x128xi32, #tpu.memory_space<vmem>>) target_semaphore(%run_scoped3A : memref<!tpu.dma_semaphore, #tpu.memory_space<semaphore_mem>>)
        %dma_wait3A_265 = arith.constant 0 : i32
        %dma_wait3A_266 = tpu.memref_slice %arg3[%mul3A_184, %dma_wait3A_265] : memref<5120x128xi32, #tpu.memory_space<hbm>> -> memref<2x128xi32, #tpu.memory_space<hbm>>
        %dma_wait3A_267 = arith.constant 0 : i32
        %dma_wait3A_268 = tpu.memref_slice %arg3[%mul3A_184, %dma_wait3A_267] : memref<5120x128xi32, #tpu.memory_space<hbm>> -> memref<2x128xi32, #tpu.memory_space<hbm>>
        tpu.wait_dma2 semaphore(%run_scoped3A : memref<!tpu.dma_semaphore, #tpu.memory_space<semaphore_mem>>) src(%dma_wait3A_268 : memref<2x128xi32, #tpu.memory_space<hbm>>) dst(%arg8 : memref<2x128xi32, #tpu.memory_space<vmem>>)
        tpu.yield
      }) : () -> ()
      %dma_start3A_185 = arith.constant 0 : i32
      %dma_start3A_186 = arith.constant 0 : i32
      %dma_start3A_187 = tpu.memref_slice %arg8[%dma_start3A_185, %dma_start3A_186] : memref<2x128xi32, #tpu.memory_space<vmem>> -> memref<1x128xi32, #tpu.memory_space<vmem>>
      %dma_start3A_188 = tpu.memref_squeeze %dma_start3A_187 : memref<1x128xi32, #tpu.memory_space<vmem>> -> memref<128xi32, #tpu.memory_space<vmem>>
      %dma_start3A_189 = arith.constant 0 : i32
      %dma_start3A_190 = arith.constant 0 : i32
      %dma_start3A_191 = tpu.memref_slice %arg2[%dma_start3A_189, %dma_start3A_190] : memref<10000x128xf32, #tpu.memory_space<hbm>> -> memref<10000x128xf32, #tpu.memory_space<hbm>>
      tpu.enqueue_indirect_dma source(%dma_start3A_191 : memref<10000x128xf32, #tpu.memory_space<hbm>>) target(%arg10 : memref<128x128xf32, #tpu.memory_space<vmem>>) offsets(%dma_start3A_188 : memref<128xi32, #tpu.memory_space<vmem>>) semaphore(%arg14 : memref<!tpu.dma_semaphore, #tpu.memory_space<semaphore_mem>>)
      %dma_wait3A_192 = arith.constant 0 : i32
      %dma_wait3A_193 = arith.constant 0 : i32
      %dma_wait3A_194 = tpu.memref_slice %arg9[%dma_wait3A_192, %dma_wait3A_193] : memref<2x128xi32, #tpu.memory_space<vmem>> -> memref<1x128xi32, #tpu.memory_space<vmem>>
      %dma_wait3A_195 = tpu.memref_squeeze %dma_wait3A_194 : memref<1x128xi32, #tpu.memory_space<vmem>> -> memref<128xi32, #tpu.memory_space<vmem>>
      %dma_wait3A_196 = arith.constant 0 : i32
      %dma_wait3A_197 = arith.constant 0 : i32
      %dma_wait3A_198 = tpu.memref_slice %arg2[%dma_wait3A_196, %dma_wait3A_197] : memref<10000x128xf32, #tpu.memory_space<hbm>> -> memref<10000x128xf32, #tpu.memory_space<hbm>>
      tpu.wait_indirect_dma semaphore(%arg15 : memref<!tpu.dma_semaphore, #tpu.memory_space<semaphore_mem>>) src(%dma_wait3A_198 : memref<10000x128xf32, #tpu.memory_space<hbm>>) dst(%arg11 : memref<128x128xf32, #tpu.memory_space<vmem>>)
      %dma_start3A_199 = arith.constant 1 : i32
      %dma_start3A_200 = arith.constant 0 : i32
      %dma_start3A_201 = tpu.memref_slice %arg9[%dma_start3A_199, %dma_start3A_200] : memref<2x128xi32, #tpu.memory_space<vmem>> -> memref<1x128xi32, #tpu.memory_space<vmem>>
      %dma_start3A_202 = tpu.memref_squeeze %dma_start3A_201 : memref<1x128xi32, #tpu.memory_space<vmem>> -> memref<128xi32, #tpu.memory_space<vmem>>
      %dma_start3A_203 = arith.constant 0 : i32
      %dma_start3A_204 = arith.constant 0 : i32
      %dma_start3A_205 = tpu.memref_slice %arg6[%dma_start3A_203, %dma_start3A_204] : memref<10240x128xf32, #tpu.memory_space<vmem_shared>> -> memref<10240x128xf32, #tpu.memory_space<vmem_shared>>
      tpu.enqueue_indirect_dma source(%arg11 : memref<128x128xf32, #tpu.memory_space<vmem>>) target(%dma_start3A_205 : memref<10240x128xf32, #tpu.memory_space<vmem_shared>>) offsets(%dma_start3A_202 : memref<128xi32, #tpu.memory_space<vmem>>) semaphore(%arg17 : memref<!tpu.dma_semaphore, #tpu.memory_space<semaphore_mem>>) {add = true}
      %dma_start3A_206 = arith.constant 1 : i32
      %dma_start3A_207 = arith.constant 0 : i32
      %dma_start3A_208 = tpu.memref_slice %arg9[%dma_start3A_206, %dma_start3A_207] : memref<2x128xi32, #tpu.memory_space<vmem>> -> memref<1x128xi32, #tpu.memory_space<vmem>>
      %dma_start3A_209 = tpu.memref_squeeze %dma_start3A_208 : memref<1x128xi32, #tpu.memory_space<vmem>> -> memref<128xi32, #tpu.memory_space<vmem>>
      %dma_start3A_210 = arith.constant 0 : i32
      %dma_start3A_211 = tpu.memref_slice %arg7[%dma_start3A_210] : memref<10240xf32, #tpu.memory_space<vmem_shared>> -> memref<10240xf32, #tpu.memory_space<vmem_shared>>
      tpu.enqueue_indirect_dma source(%arg12 : memref<128xf32, #tpu.memory_space<vmem>>) target(%dma_start3A_211 : memref<10240xf32, #tpu.memory_space<vmem_shared>>) offsets(%dma_start3A_209 : memref<128xi32, #tpu.memory_space<vmem>>) semaphore(%arg19 : memref<!tpu.dma_semaphore, #tpu.memory_space<semaphore_mem>>) {add = true}
      %mul3A_212 = arith.constant 2 : i32
      %mul3A_213 = arith.muli %mul3A_212, %while3A_162 : i32
      %add3A_214 = arith.constant 2 : i32
      %add3A_215 = arith.addi %mul3A_213, %add3A_214 : i32
      %dma_wait3A_216 = arith.constant 1 : i32
      %dma_wait3A_217 = arith.constant 0 : i32
      %dma_wait3A_218 = tpu.memref_slice %arg9[%dma_wait3A_216, %dma_wait3A_217] : memref<2x128xi32, #tpu.memory_space<vmem>> -> memref<1x128xi32, #tpu.memory_space<vmem>>
      %dma_wait3A_219 = tpu.memref_squeeze %dma_wait3A_218 : memref<1x128xi32, #tpu.memory_space<vmem>> -> memref<128xi32, #tpu.memory_space<vmem>>
      %dma_wait3A_220 = arith.constant 0 : i32
      %dma_wait3A_221 = arith.constant 0 : i32
      %dma_wait3A_222 = tpu.memref_slice %arg6[%dma_wait3A_220, %dma_wait3A_221] : memref<10240x128xf32, #tpu.memory_space<vmem_shared>> -> memref<10240x128xf32, #tpu.memory_space<vmem_shared>>
      tpu.wait_indirect_dma semaphore(%arg17 : memref<!tpu.dma_semaphore, #tpu.memory_space<semaphore_mem>>) src(%arg11 : memref<128x128xf32, #tpu.memory_space<vmem>>) dst(%dma_wait3A_222 : memref<10240x128xf32, #tpu.memory_space<vmem_shared>>)
      %dma_wait3A_223 = arith.constant 1 : i32
      %dma_wait3A_224 = arith.constant 0 : i32
      %dma_wait3A_225 = tpu.memref_slice %arg9[%dma_wait3A_223, %dma_wait3A_224] : memref<2x128xi32, #tpu.memory_space<vmem>> -> memref<1x128xi32, #tpu.memory_space<vmem>>
      %dma_wait3A_226 = tpu.memref_squeeze %dma_wait3A_225 : memref<1x128xi32, #tpu.memory_space<vmem>> -> memref<128xi32, #tpu.memory_space<vmem>>
      %dma_wait3A_227 = arith.constant 0 : i32
      %dma_wait3A_228 = tpu.memref_slice %arg7[%dma_wait3A_227] : memref<10240xf32, #tpu.memory_space<vmem_shared>> -> memref<10240xf32, #tpu.memory_space<vmem_shared>>
      tpu.wait_indirect_dma semaphore(%arg19 : memref<!tpu.dma_semaphore, #tpu.memory_space<semaphore_mem>>) src(%arg12 : memref<128xf32, #tpu.memory_space<vmem>>) dst(%dma_wait3A_228 : memref<10240xf32, #tpu.memory_space<vmem_shared>>)
      %add3A_229 = arith.constant 1 : i32
      %add3A_230 = arith.addi %add3A_215, %add3A_229 : i32
      %add3A_231 = arith.addi %select_n3A_10, %add3A_230 : i32
      %mul3A_232 = arith.constant 2 : i32
      %mul3A_233 = arith.muli %mul3A_232, %add3A_231 : i32
      "tpu.region"() ({
        %run_scoped3A = tpu.sem_alloc : memref<!tpu.dma_semaphore, #tpu.memory_space<semaphore_mem>>
        %dma_start3A_261 = arith.constant 0 : i32
        %dma_start3A_262 = tpu.memref_slice %arg3[%mul3A_233, %dma_start3A_261] : memref<5120x128xi32, #tpu.memory_space<hbm>> -> memref<2x128xi32, #tpu.memory_space<hbm>>
        %dma_start3A_263 = arith.constant 0 : i32
        %dma_start3A_264 = tpu.memref_slice %arg3[%mul3A_233, %dma_start3A_263] : memref<5120x128xi32, #tpu.memory_space<hbm>> -> memref<2x128xi32, #tpu.memory_space<hbm>>
        tpu.enqueue_dma source(%dma_start3A_264 : memref<2x128xi32, #tpu.memory_space<hbm>>) target(%arg9 : memref<2x128xi32, #tpu.memory_space<vmem>>) target_semaphore(%run_scoped3A : memref<!tpu.dma_semaphore, #tpu.memory_space<semaphore_mem>>)
        %dma_wait3A_265 = arith.constant 0 : i32
        %dma_wait3A_266 = tpu.memref_slice %arg3[%mul3A_233, %dma_wait3A_265] : memref<5120x128xi32, #tpu.memory_space<hbm>> -> memref<2x128xi32, #tpu.memory_space<hbm>>
        %dma_wait3A_267 = arith.constant 0 : i32
        %dma_wait3A_268 = tpu.memref_slice %arg3[%mul3A_233, %dma_wait3A_267] : memref<5120x128xi32, #tpu.memory_space<hbm>> -> memref<2x128xi32, #tpu.memory_space<hbm>>
        tpu.wait_dma2 semaphore(%run_scoped3A : memref<!tpu.dma_semaphore, #tpu.memory_space<semaphore_mem>>) src(%dma_wait3A_268 : memref<2x128xi32, #tpu.memory_space<hbm>>) dst(%arg9 : memref<2x128xi32, #tpu.memory_space<vmem>>)
        tpu.yield
      }) : () -> ()
      %dma_start3A_234 = arith.constant 0 : i32
      %dma_start3A_235 = arith.constant 0 : i32
      %dma_start3A_236 = tpu.memref_slice %arg9[%dma_start3A_234, %dma_start3A_235] : memref<2x128xi32, #tpu.memory_space<vmem>> -> memref<1x128xi32, #tpu.memory_space<vmem>>
      %dma_start3A_237 = tpu.memref_squeeze %dma_start3A_236 : memref<1x128xi32, #tpu.memory_space<vmem>> -> memref<128xi32, #tpu.memory_space<vmem>>
      %dma_start3A_238 = arith.constant 0 : i32
      %dma_start3A_239 = arith.constant 0 : i32
      %dma_start3A_240 = tpu.memref_slice %arg2[%dma_start3A_238, %dma_start3A_239] : memref<10000x128xf32, #tpu.memory_space<hbm>> -> memref<10000x128xf32, #tpu.memory_space<hbm>>
      tpu.enqueue_indirect_dma source(%dma_start3A_240 : memref<10000x128xf32, #tpu.memory_space<hbm>>) target(%arg11 : memref<128x128xf32, #tpu.memory_space<vmem>>) offsets(%dma_start3A_237 : memref<128xi32, #tpu.memory_space<vmem>>) semaphore(%arg15 : memref<!tpu.dma_semaphore, #tpu.memory_space<semaphore_mem>>)
      %dma_wait3A_241 = arith.constant 0 : i32
      %dma_wait3A_242 = arith.constant 0 : i32
      %dma_wait3A_243 = tpu.memref_slice %arg8[%dma_wait3A_241, %dma_wait3A_242] : memref<2x128xi32, #tpu.memory_space<vmem>> -> memref<1x128xi32, #tpu.memory_space<vmem>>
      %dma_wait3A_244 = tpu.memref_squeeze %dma_wait3A_243 : memref<1x128xi32, #tpu.memory_space<vmem>> -> memref<128xi32, #tpu.memory_space<vmem>>
      %dma_wait3A_245 = arith.constant 0 : i32
      %dma_wait3A_246 = arith.constant 0 : i32
      %dma_wait3A_247 = tpu.memref_slice %arg2[%dma_wait3A_245, %dma_wait3A_246] : memref<10000x128xf32, #tpu.memory_space<hbm>> -> memref<10000x128xf32, #tpu.memory_space<hbm>>
      tpu.wait_indirect_dma semaphore(%arg14 : memref<!tpu.dma_semaphore, #tpu.memory_space<semaphore_mem>>) src(%dma_wait3A_247 : memref<10000x128xf32, #tpu.memory_space<hbm>>) dst(%arg10 : memref<128x128xf32, #tpu.memory_space<vmem>>)
      %dma_start3A_248 = arith.constant 1 : i32
      %dma_start3A_249 = arith.constant 0 : i32
      %dma_start3A_250 = tpu.memref_slice %arg8[%dma_start3A_248, %dma_start3A_249] : memref<2x128xi32, #tpu.memory_space<vmem>> -> memref<1x128xi32, #tpu.memory_space<vmem>>
      %dma_start3A_251 = tpu.memref_squeeze %dma_start3A_250 : memref<1x128xi32, #tpu.memory_space<vmem>> -> memref<128xi32, #tpu.memory_space<vmem>>
      %dma_start3A_252 = arith.constant 0 : i32
      %dma_start3A_253 = arith.constant 0 : i32
      %dma_start3A_254 = tpu.memref_slice %arg6[%dma_start3A_252, %dma_start3A_253] : memref<10240x128xf32, #tpu.memory_space<vmem_shared>> -> memref<10240x128xf32, #tpu.memory_space<vmem_shared>>
      tpu.enqueue_indirect_dma source(%arg10 : memref<128x128xf32, #tpu.memory_space<vmem>>) target(%dma_start3A_254 : memref<10240x128xf32, #tpu.memory_space<vmem_shared>>) offsets(%dma_start3A_251 : memref<128xi32, #tpu.memory_space<vmem>>) semaphore(%arg16 : memref<!tpu.dma_semaphore, #tpu.memory_space<semaphore_mem>>) {add = true}
      %dma_start3A_255 = arith.constant 1 : i32
      %dma_start3A_256 = arith.constant 0 : i32
      %dma_start3A_257 = tpu.memref_slice %arg8[%dma_start3A_255, %dma_start3A_256] : memref<2x128xi32, #tpu.memory_space<vmem>> -> memref<1x128xi32, #tpu.memory_space<vmem>>
      %dma_start3A_258 = tpu.memref_squeeze %dma_start3A_257 : memref<1x128xi32, #tpu.memory_space<vmem>> -> memref<128xi32, #tpu.memory_space<vmem>>
      %dma_start3A_259 = arith.constant 0 : i32
      %dma_start3A_260 = tpu.memref_slice %arg7[%dma_start3A_259] : memref<10240xf32, #tpu.memory_space<vmem_shared>> -> memref<10240xf32, #tpu.memory_space<vmem_shared>>
      tpu.enqueue_indirect_dma source(%arg12 : memref<128xf32, #tpu.memory_space<vmem>>) target(%dma_start3A_260 : memref<10240xf32, #tpu.memory_space<vmem_shared>>) offsets(%dma_start3A_258 : memref<128xi32, #tpu.memory_space<vmem>>) semaphore(%arg18 : memref<!tpu.dma_semaphore, #tpu.memory_space<semaphore_mem>>) {add = true}
    }
    %dma_wait3A_112 = arith.constant 1 : i32
    %dma_wait3A_113 = arith.constant 0 : i32
    %dma_wait3A_114 = tpu.memref_slice %arg8[%dma_wait3A_112, %dma_wait3A_113] : memref<2x128xi32, #tpu.memory_space<vmem>> -> memref<1x128xi32, #tpu.memory_space<vmem>>
    %dma_wait3A_115 = tpu.memref_squeeze %dma_wait3A_114 : memref<1x128xi32, #tpu.memory_space<vmem>> -> memref<128xi32, #tpu.memory_space<vmem>>
    %dma_wait3A_116 = arith.constant 0 : i32
    %dma_wait3A_117 = arith.constant 0 : i32
    %dma_wait3A_118 = tpu.memref_slice %arg6[%dma_wait3A_116, %dma_wait3A_117] : memref<10240x128xf32, #tpu.memory_space<vmem_shared>> -> memref<10240x128xf32, #tpu.memory_space<vmem_shared>>
    tpu.wait_indirect_dma semaphore(%arg16 : memref<!tpu.dma_semaphore, #tpu.memory_space<semaphore_mem>>) src(%arg10 : memref<128x128xf32, #tpu.memory_space<vmem>>) dst(%dma_wait3A_118 : memref<10240x128xf32, #tpu.memory_space<vmem_shared>>)
    %dma_wait3A_119 = arith.constant 1 : i32
    %dma_wait3A_120 = arith.constant 0 : i32
    %dma_wait3A_121 = tpu.memref_slice %arg8[%dma_wait3A_119, %dma_wait3A_120] : memref<2x128xi32, #tpu.memory_space<vmem>> -> memref<1x128xi32, #tpu.memory_space<vmem>>
    %dma_wait3A_122 = tpu.memref_squeeze %dma_wait3A_121 : memref<1x128xi32, #tpu.memory_space<vmem>> -> memref<128xi32, #tpu.memory_space<vmem>>
    %dma_wait3A_123 = arith.constant 0 : i32
    %dma_wait3A_124 = tpu.memref_slice %arg7[%dma_wait3A_123] : memref<10240xf32, #tpu.memory_space<vmem_shared>> -> memref<10240xf32, #tpu.memory_space<vmem_shared>>
    tpu.wait_indirect_dma semaphore(%arg18 : memref<!tpu.dma_semaphore, #tpu.memory_space<semaphore_mem>>) src(%arg12 : memref<128xf32, #tpu.memory_space<vmem>>) dst(%dma_wait3A_124 : memref<10240xf32, #tpu.memory_space<vmem_shared>>)
    %dma_wait3A_125 = arith.constant 0 : i32
    %dma_wait3A_126 = arith.constant 0 : i32
    %dma_wait3A_127 = tpu.memref_slice %arg9[%dma_wait3A_125, %dma_wait3A_126] : memref<2x128xi32, #tpu.memory_space<vmem>> -> memref<1x128xi32, #tpu.memory_space<vmem>>
    %dma_wait3A_128 = tpu.memref_squeeze %dma_wait3A_127 : memref<1x128xi32, #tpu.memory_space<vmem>> -> memref<128xi32, #tpu.memory_space<vmem>>
    %dma_wait3A_129 = arith.constant 0 : i32
    %dma_wait3A_130 = arith.constant 0 : i32
    %dma_wait3A_131 = tpu.memref_slice %arg2[%dma_wait3A_129, %dma_wait3A_130] : memref<10000x128xf32, #tpu.memory_space<hbm>> -> memref<10000x128xf32, #tpu.memory_space<hbm>>
    tpu.wait_indirect_dma semaphore(%arg15 : memref<!tpu.dma_semaphore, #tpu.memory_space<semaphore_mem>>) src(%dma_wait3A_131 : memref<10000x128xf32, #tpu.memory_space<hbm>>) dst(%arg11 : memref<128x128xf32, #tpu.memory_space<vmem>>)
    %dma_start3A_132 = arith.constant 1 : i32
    %dma_start3A_133 = arith.constant 0 : i32
    %dma_start3A_134 = tpu.memref_slice %arg9[%dma_start3A_132, %dma_start3A_133] : memref<2x128xi32, #tpu.memory_space<vmem>> -> memref<1x128xi32, #tpu.memory_space<vmem>>
    %dma_start3A_135 = tpu.memref_squeeze %dma_start3A_134 : memref<1x128xi32, #tpu.memory_space<vmem>> -> memref<128xi32, #tpu.memory_space<vmem>>
    %dma_start3A_136 = arith.constant 0 : i32
    %dma_start3A_137 = arith.constant 0 : i32
    %dma_start3A_138 = tpu.memref_slice %arg6[%dma_start3A_136, %dma_start3A_137] : memref<10240x128xf32, #tpu.memory_space<vmem_shared>> -> memref<10240x128xf32, #tpu.memory_space<vmem_shared>>
    tpu.enqueue_indirect_dma source(%arg11 : memref<128x128xf32, #tpu.memory_space<vmem>>) target(%dma_start3A_138 : memref<10240x128xf32, #tpu.memory_space<vmem_shared>>) offsets(%dma_start3A_135 : memref<128xi32, #tpu.memory_space<vmem>>) semaphore(%arg17 : memref<!tpu.dma_semaphore, #tpu.memory_space<semaphore_mem>>) {add = true}
    %dma_start3A_139 = arith.constant 1 : i32
    %dma_start3A_140 = arith.constant 0 : i32
    %dma_start3A_141 = tpu.memref_slice %arg9[%dma_start3A_139, %dma_start3A_140] : memref<2x128xi32, #tpu.memory_space<vmem>> -> memref<1x128xi32, #tpu.memory_space<vmem>>
    %dma_start3A_142 = tpu.memref_squeeze %dma_start3A_141 : memref<1x128xi32, #tpu.memory_space<vmem>> -> memref<128xi32, #tpu.memory_space<vmem>>
    %dma_start3A_143 = arith.constant 0 : i32
    %dma_start3A_144 = tpu.memref_slice %arg7[%dma_start3A_143] : memref<10240xf32, #tpu.memory_space<vmem_shared>> -> memref<10240xf32, #tpu.memory_space<vmem_shared>>
    tpu.enqueue_indirect_dma source(%arg12 : memref<128xf32, #tpu.memory_space<vmem>>) target(%dma_start3A_144 : memref<10240xf32, #tpu.memory_space<vmem_shared>>) offsets(%dma_start3A_142 : memref<128xi32, #tpu.memory_space<vmem>>) semaphore(%arg19 : memref<!tpu.dma_semaphore, #tpu.memory_space<semaphore_mem>>) {add = true}
    %dma_wait3A_145 = arith.constant 1 : i32
    %dma_wait3A_146 = arith.constant 0 : i32
    %dma_wait3A_147 = tpu.memref_slice %arg9[%dma_wait3A_145, %dma_wait3A_146] : memref<2x128xi32, #tpu.memory_space<vmem>> -> memref<1x128xi32, #tpu.memory_space<vmem>>
    %dma_wait3A_148 = tpu.memref_squeeze %dma_wait3A_147 : memref<1x128xi32, #tpu.memory_space<vmem>> -> memref<128xi32, #tpu.memory_space<vmem>>
    %dma_wait3A_149 = arith.constant 0 : i32
    %dma_wait3A_150 = arith.constant 0 : i32
    %dma_wait3A_151 = tpu.memref_slice %arg6[%dma_wait3A_149, %dma_wait3A_150] : memref<10240x128xf32, #tpu.memory_space<vmem_shared>> -> memref<10240x128xf32, #tpu.memory_space<vmem_shared>>
    tpu.wait_indirect_dma semaphore(%arg17 : memref<!tpu.dma_semaphore, #tpu.memory_space<semaphore_mem>>) src(%arg11 : memref<128x128xf32, #tpu.memory_space<vmem>>) dst(%dma_wait3A_151 : memref<10240x128xf32, #tpu.memory_space<vmem_shared>>)
    %dma_wait3A_152 = arith.constant 1 : i32
    %dma_wait3A_153 = arith.constant 0 : i32
    %dma_wait3A_154 = tpu.memref_slice %arg9[%dma_wait3A_152, %dma_wait3A_153] : memref<2x128xi32, #tpu.memory_space<vmem>> -> memref<1x128xi32, #tpu.memory_space<vmem>>
    %dma_wait3A_155 = tpu.memref_squeeze %dma_wait3A_154 : memref<1x128xi32, #tpu.memory_space<vmem>> -> memref<128xi32, #tpu.memory_space<vmem>>
    %dma_wait3A_156 = arith.constant 0 : i32
    %dma_wait3A_157 = tpu.memref_slice %arg7[%dma_wait3A_156] : memref<10240xf32, #tpu.memory_space<vmem_shared>> -> memref<10240xf32, #tpu.memory_space<vmem_shared>>
    tpu.wait_indirect_dma semaphore(%arg19 : memref<!tpu.dma_semaphore, #tpu.memory_space<semaphore_mem>>) src(%arg12 : memref<128xf32, #tpu.memory_space<vmem>>) dst(%dma_wait3A_157 : memref<10240xf32, #tpu.memory_space<vmem_shared>>)
    %barrier3A_158 = arith.constant 0 : index
    tpu.barrier barrier_id(%barrier3A_158)
    "tpu.region"() ({
      %run_scoped3A = tpu.sem_alloc : memref<!tpu.dma_semaphore, #tpu.memory_space<semaphore_mem>>
      %dma_start3A_162 = arith.constant 0 : i32
      %dma_start3A_163 = tpu.memref_slice %arg4[%arg0, %mul3A_0, %dma_start3A_162] : memref<2x10240x128xf32, #tpu.memory_space<hbm>> -> memref<1x640x128xf32, #tpu.memory_space<hbm>>
      %dma_start3A_164 = tpu.memref_squeeze %dma_start3A_163 : memref<1x640x128xf32, #tpu.memory_space<hbm>> -> memref<640x128xf32, #tpu.memory_space<hbm>>
      %dma_start3A_165 = arith.constant 0 : i32
      %dma_start3A_166 = tpu.memref_slice %arg6[%mul3A_0, %dma_start3A_165] : memref<10240x128xf32, #tpu.memory_space<vmem_shared>> -> memref<640x128xf32, #tpu.memory_space<vmem_shared>>
      tpu.enqueue_dma source(%dma_start3A_166 : memref<640x128xf32, #tpu.memory_space<vmem_shared>>) target(%dma_start3A_164 : memref<640x128xf32, #tpu.memory_space<hbm>>) target_semaphore(%run_scoped3A : memref<!tpu.dma_semaphore, #tpu.memory_space<semaphore_mem>>)
      %dma_wait3A_167 = arith.constant 0 : i32
      %dma_wait3A_168 = tpu.memref_slice %arg4[%arg0, %mul3A_0, %dma_wait3A_167] : memref<2x10240x128xf32, #tpu.memory_space<hbm>> -> memref<1x640x128xf32, #tpu.memory_space<hbm>>
      %dma_wait3A_169 = tpu.memref_squeeze %dma_wait3A_168 : memref<1x640x128xf32, #tpu.memory_space<hbm>> -> memref<640x128xf32, #tpu.memory_space<hbm>>
      %dma_wait3A_170 = arith.constant 0 : i32
      %dma_wait3A_171 = tpu.memref_slice %arg6[%mul3A_0, %dma_wait3A_170] : memref<10240x128xf32, #tpu.memory_space<vmem_shared>> -> memref<640x128xf32, #tpu.memory_space<vmem_shared>>
      tpu.wait_dma2 semaphore(%run_scoped3A : memref<!tpu.dma_semaphore, #tpu.memory_space<semaphore_mem>>) src(%dma_wait3A_171 : memref<640x128xf32, #tpu.memory_space<vmem_shared>>) dst(%dma_wait3A_169 : memref<640x128xf32, #tpu.memory_space<hbm>>)
      tpu.yield
    }) : () -> ()
    %mul3A_159 = arith.constant 10240 : i32
    %mul3A_160 = arith.muli %arg0, %mul3A_159 : i32
    %add3A_161 = arith.addi %mul3A_160, %mul3A_0 : i32
    "tpu.region"() ({
      %run_scoped3A = tpu.sem_alloc : memref<!tpu.dma_semaphore, #tpu.memory_space<semaphore_mem>>
      %dma_start3A_162 = tpu.memref_slice %arg5[%add3A_161] : memref<20480xf32, #tpu.memory_space<hbm>> -> memref<640xf32, #tpu.memory_space<hbm>>
      %dma_start3A_163 = tpu.memref_slice %arg7[%mul3A_0] : memref<10240xf32, #tpu.memory_space<vmem_shared>> -> memref<640xf32, #tpu.memory_space<vmem_shared>>
      tpu.enqueue_dma source(%dma_start3A_163 : memref<640xf32, #tpu.memory_space<vmem_shared>>) target(%dma_start3A_162 : memref<640xf32, #tpu.memory_space<hbm>>) target_semaphore(%run_scoped3A : memref<!tpu.dma_semaphore, #tpu.memory_space<semaphore_mem>>)
      %dma_wait3A_164 = tpu.memref_slice %arg5[%add3A_161] : memref<20480xf32, #tpu.memory_space<hbm>> -> memref<640xf32, #tpu.memory_space<hbm>>
      %dma_wait3A_165 = tpu.memref_slice %arg7[%mul3A_0] : memref<10240xf32, #tpu.memory_space<vmem_shared>> -> memref<640xf32, #tpu.memory_space<vmem_shared>>
      tpu.wait_dma2 semaphore(%run_scoped3A : memref<!tpu.dma_semaphore, #tpu.memory_space<semaphore_mem>>) src(%dma_wait3A_165 : memref<640xf32, #tpu.memory_space<vmem_shared>>) dst(%dma_wait3A_164 : memref<640xf32, #tpu.memory_space<hbm>>)
      tpu.yield
    }) : () -> ()
    return
  }
}

#map = affine_map<(d0, d1) -> (0, 0)>
#map1 = affine_map<(d0, d1) -> (0, 0, 0)>
module attributes {stable_mosaic.version = 14 : i64} {
  func.func @_sc_agg_body(%arg0: i32, %arg1: i32, %arg2: memref<10240x128xf32, #tpu.memory_space<hbm>>, %arg3: memref<5120x128xi32, #tpu.memory_space<hbm>>, %arg4: memref<2x10240x128xf32, #tpu.memory_space<hbm>>, %arg5: memref<10240x128xf32, #tpu.memory_space<vmem_shared>>, %arg6: memref<2x128xi32, #tpu.memory_space<vmem>>, %arg7: memref<2x128xi32, #tpu.memory_space<vmem>>, %arg8: memref<128x128xf32, #tpu.memory_space<vmem>>, %arg9: memref<128x128xf32, #tpu.memory_space<vmem>>, %arg10: memref<!tpu.dma_semaphore, #tpu.memory_space<semaphore_mem>>, %arg11: memref<!tpu.dma_semaphore, #tpu.memory_space<semaphore_mem>>, %arg12: memref<!tpu.dma_semaphore, #tpu.memory_space<semaphore_mem>>, %arg13: memref<!tpu.dma_semaphore, #tpu.memory_space<semaphore_mem>>) attributes {dimension_semantics = [#tpu.dimension_semantics<core_parallel>, #tpu.dimension_semantics<subcore_parallel>], iteration_bounds = array<i64: 2, 16>, scalar_prefetch = 0 : i64, scratch_operands = 9 : i64, tpu.core_type = #tpu.core_type<sc_vector_subcore>, window_params = [{transform_indices = #map}, {transform_indices = #map}, {transform_indices = #map1}]} {
    %mul3A = arith.constant 640 : i32
    %mul3A_0 = arith.muli %arg1, %mul3A : i32
    %eq3A = arith.constant 0 : i32
    %eq3A_1 = arith.cmpi eq, %arg0, %eq3A : i32
    %jit3A = arith.constant 148 : i32
    %jit3A_2 = arith.constant 12 : i32
    %select_n3A = arith.select %eq3A_1, %jit3A, %jit3A_2 : i32
    %eq3A_3 = arith.constant 0 : i32
    %eq3A_4 = arith.cmpi eq, %arg0, %eq3A_3 : i32
    %mul3A_5 = arith.constant 148 : i32
    %mul3A_6 = arith.muli %arg1, %mul3A_5 : i32
    %mul3A_7 = arith.constant 12 : i32
    %mul3A_8 = arith.muli %arg1, %mul3A_7 : i32
    %add3A = arith.constant 2368 : i32
    %add3A_9 = arith.addi %add3A, %mul3A_8 : i32
    %select_n3A_10 = arith.select %eq3A_4, %mul3A_6, %add3A_9 : i32
    %broadcast_in_dim3A = arith.constant 0.000000e+00 : f32
    %broadcast_in_dim3A_11 = vector.broadcast %broadcast_in_dim3A : f32 to vector<16xf32>
    %scan3A = arith.constant 0 : i32
    %scan3A_12 = arith.constant 0 : i32
    %scan3A_13 = arith.constant 128 : i32
    %scan3A_14 = arith.addi %scan3A_12, %scan3A_13 : i32
    %scan3A_15 = arith.constant 1 : i32
    scf.for %scan3A_119 = %scan3A_12 to %scan3A_14 step %scan3A_15  : i32 {
      %swap3A = arith.index_cast %scan3A_119 : i32 to index
      %swap3A_120 = arith.constant 0 : index
      %swap3A_121 = tpu.vector_load %arg8[%swap3A, %swap3A_120] {strides = array<i32>} : memref<128x128xf32, #tpu.memory_space<vmem>>, vector<1x16xf32>,
      %swap3A_122 = vector.shape_cast %swap3A_121 : vector<1x16xf32> to vector<16xf32>
      %swap3A_123 = vector.shape_cast %broadcast_in_dim3A_11 : vector<16xf32> to vector<1x16xf32>
      tpu.vector_store %arg8[%swap3A, %swap3A_120], %swap3A_123 {strides = array<i32>} : memref<128x128xf32, #tpu.memory_space<vmem>>, vector<1x16xf32>,
      %swap3A_124 = arith.index_cast %scan3A_119 : i32 to index
      %swap3A_125 = arith.constant 16 : index
      %swap3A_126 = tpu.vector_load %arg8[%swap3A_124, %swap3A_125] {strides = array<i32>} : memref<128x128xf32, #tpu.memory_space<vmem>>, vector<1x16xf32>,
      %swap3A_127 = vector.shape_cast %swap3A_126 : vector<1x16xf32> to vector<16xf32>
      %swap3A_128 = vector.shape_cast %broadcast_in_dim3A_11 : vector<16xf32> to vector<1x16xf32>
      tpu.vector_store %arg8[%swap3A_124, %swap3A_125], %swap3A_128 {strides = array<i32>} : memref<128x128xf32, #tpu.memory_space<vmem>>, vector<1x16xf32>,
      %swap3A_129 = arith.index_cast %scan3A_119 : i32 to index
      %swap3A_130 = arith.constant 32 : index
      %swap3A_131 = tpu.vector_load %arg8[%swap3A_129, %swap3A_130] {strides = array<i32>} : memref<128x128xf32, #tpu.memory_space<vmem>>, vector<1x16xf32>,
      %swap3A_132 = vector.shape_cast %swap3A_131 : vector<1x16xf32> to vector<16xf32>
      %swap3A_133 = vector.shape_cast %broadcast_in_dim3A_11 : vector<16xf32> to vector<1x16xf32>
      tpu.vector_store %arg8[%swap3A_129, %swap3A_130], %swap3A_133 {strides = array<i32>} : memref<128x128xf32, #tpu.memory_space<vmem>>, vector<1x16xf32>,
      %swap3A_134 = arith.index_cast %scan3A_119 : i32 to index
      %swap3A_135 = arith.constant 48 : index
      %swap3A_136 = tpu.vector_load %arg8[%swap3A_134, %swap3A_135] {strides = array<i32>} : memref<128x128xf32, #tpu.memory_space<vmem>>, vector<1x16xf32>,
      %swap3A_137 = vector.shape_cast %swap3A_136 : vector<1x16xf32> to vector<16xf32>
      %swap3A_138 = vector.shape_cast %broadcast_in_dim3A_11 : vector<16xf32> to vector<1x16xf32>
      tpu.vector_store %arg8[%swap3A_134, %swap3A_135], %swap3A_138 {strides = array<i32>} : memref<128x128xf32, #tpu.memory_space<vmem>>, vector<1x16xf32>,
      %swap3A_139 = arith.index_cast %scan3A_119 : i32 to index
      %swap3A_140 = arith.constant 64 : index
      %swap3A_141 = tpu.vector_load %arg8[%swap3A_139, %swap3A_140] {strides = array<i32>} : memref<128x128xf32, #tpu.memory_space<vmem>>, vector<1x16xf32>,
      %swap3A_142 = vector.shape_cast %swap3A_141 : vector<1x16xf32> to vector<16xf32>
      %swap3A_143 = vector.shape_cast %broadcast_in_dim3A_11 : vector<16xf32> to vector<1x16xf32>
      tpu.vector_store %arg8[%swap3A_139, %swap3A_140], %swap3A_143 {strides = array<i32>} : memref<128x128xf32, #tpu.memory_space<vmem>>, vector<1x16xf32>,
      %swap3A_144 = arith.index_cast %scan3A_119 : i32 to index
      %swap3A_145 = arith.constant 80 : index
      %swap3A_146 = tpu.vector_load %arg8[%swap3A_144, %swap3A_145] {strides = array<i32>} : memref<128x128xf32, #tpu.memory_space<vmem>>, vector<1x16xf32>,
      %swap3A_147 = vector.shape_cast %swap3A_146 : vector<1x16xf32> to vector<16xf32>
      %swap3A_148 = vector.shape_cast %broadcast_in_dim3A_11 : vector<16xf32> to vector<1x16xf32>
      tpu.vector_store %arg8[%swap3A_144, %swap3A_145], %swap3A_148 {strides = array<i32>} : memref<128x128xf32, #tpu.memory_space<vmem>>, vector<1x16xf32>,
      %swap3A_149 = arith.index_cast %scan3A_119 : i32 to index
      %swap3A_150 = arith.constant 96 : index
      %swap3A_151 = tpu.vector_load %arg8[%swap3A_149, %swap3A_150] {strides = array<i32>} : memref<128x128xf32, #tpu.memory_space<vmem>>, vector<1x16xf32>,
      %swap3A_152 = vector.shape_cast %swap3A_151 : vector<1x16xf32> to vector<16xf32>
      %swap3A_153 = vector.shape_cast %broadcast_in_dim3A_11 : vector<16xf32> to vector<1x16xf32>
      tpu.vector_store %arg8[%swap3A_149, %swap3A_150], %swap3A_153 {strides = array<i32>} : memref<128x128xf32, #tpu.memory_space<vmem>>, vector<1x16xf32>,
      %swap3A_154 = arith.index_cast %scan3A_119 : i32 to index
      %swap3A_155 = arith.constant 112 : index
      %swap3A_156 = tpu.vector_load %arg8[%swap3A_154, %swap3A_155] {strides = array<i32>} : memref<128x128xf32, #tpu.memory_space<vmem>>, vector<1x16xf32>,
      %swap3A_157 = vector.shape_cast %swap3A_156 : vector<1x16xf32> to vector<16xf32>
      %swap3A_158 = vector.shape_cast %broadcast_in_dim3A_11 : vector<16xf32> to vector<1x16xf32>
      tpu.vector_store %arg8[%swap3A_154, %swap3A_155], %swap3A_158 {strides = array<i32>} : memref<128x128xf32, #tpu.memory_space<vmem>>, vector<1x16xf32>,
    }
    %scan3A_16 = arith.constant 128 : i32
    %add3A_17 = arith.constant 0 : i32
    %add3A_18 = arith.addi %mul3A_0, %add3A_17 : i32
    "tpu.region"() ({
      %run_scoped3A = tpu.sem_alloc : memref<!tpu.dma_semaphore, #tpu.memory_space<semaphore_mem>>
      %dma_start3A_119 = arith.constant 0 : i32
      %dma_start3A_120 = tpu.memref_slice %arg5[%add3A_18, %dma_start3A_119] : memref<10240x128xf32, #tpu.memory_space<vmem_shared>> -> memref<128x128xf32, #tpu.memory_space<vmem_shared>>
      %dma_start3A_121 = arith.constant 0 : i32
      %dma_start3A_122 = tpu.memref_slice %arg5[%add3A_18, %dma_start3A_121] : memref<10240x128xf32, #tpu.memory_space<vmem_shared>> -> memref<128x128xf32, #tpu.memory_space<vmem_shared>>
      tpu.enqueue_dma source(%arg8 : memref<128x128xf32, #tpu.memory_space<vmem>>) target(%dma_start3A_122 : memref<128x128xf32, #tpu.memory_space<vmem_shared>>) target_semaphore(%run_scoped3A : memref<!tpu.dma_semaphore, #tpu.memory_space<semaphore_mem>>)
      %dma_wait3A_123 = arith.constant 0 : i32
      %dma_wait3A_124 = tpu.memref_slice %arg5[%add3A_18, %dma_wait3A_123] : memref<10240x128xf32, #tpu.memory_space<vmem_shared>> -> memref<128x128xf32, #tpu.memory_space<vmem_shared>>
      %dma_wait3A_125 = arith.constant 0 : i32
      %dma_wait3A_126 = tpu.memref_slice %arg5[%add3A_18, %dma_wait3A_125] : memref<10240x128xf32, #tpu.memory_space<vmem_shared>> -> memref<128x128xf32, #tpu.memory_space<vmem_shared>>
      tpu.wait_dma2 semaphore(%run_scoped3A : memref<!tpu.dma_semaphore, #tpu.memory_space<semaphore_mem>>) src(%arg8 : memref<128x128xf32, #tpu.memory_space<vmem>>) dst(%dma_wait3A_126 : memref<128x128xf32, #tpu.memory_space<vmem_shared>>)
      tpu.yield
    }) : () -> ()
    %add3A_19 = arith.constant 128 : i32
    %add3A_20 = arith.addi %mul3A_0, %add3A_19 : i32
    "tpu.region"() ({
      %run_scoped3A = tpu.sem_alloc : memref<!tpu.dma_semaphore, #tpu.memory_space<semaphore_mem>>
      %dma_start3A_119 = arith.constant 0 : i32
      %dma_start3A_120 = tpu.memref_slice %arg5[%add3A_20, %dma_start3A_119] : memref<10240x128xf32, #tpu.memory_space<vmem_shared>> -> memref<128x128xf32, #tpu.memory_space<vmem_shared>>
      %dma_start3A_121 = arith.constant 0 : i32
      %dma_start3A_122 = tpu.memref_slice %arg5[%add3A_20, %dma_start3A_121] : memref<10240x128xf32, #tpu.memory_space<vmem_shared>> -> memref<128x128xf32, #tpu.memory_space<vmem_shared>>
      tpu.enqueue_dma source(%arg8 : memref<128x128xf32, #tpu.memory_space<vmem>>) target(%dma_start3A_122 : memref<128x128xf32, #tpu.memory_space<vmem_shared>>) target_semaphore(%run_scoped3A : memref<!tpu.dma_semaphore, #tpu.memory_space<semaphore_mem>>)
      %dma_wait3A_123 = arith.constant 0 : i32
      %dma_wait3A_124 = tpu.memref_slice %arg5[%add3A_20, %dma_wait3A_123] : memref<10240x128xf32, #tpu.memory_space<vmem_shared>> -> memref<128x128xf32, #tpu.memory_space<vmem_shared>>
      %dma_wait3A_125 = arith.constant 0 : i32
      %dma_wait3A_126 = tpu.memref_slice %arg5[%add3A_20, %dma_wait3A_125] : memref<10240x128xf32, #tpu.memory_space<vmem_shared>> -> memref<128x128xf32, #tpu.memory_space<vmem_shared>>
      tpu.wait_dma2 semaphore(%run_scoped3A : memref<!tpu.dma_semaphore, #tpu.memory_space<semaphore_mem>>) src(%arg8 : memref<128x128xf32, #tpu.memory_space<vmem>>) dst(%dma_wait3A_126 : memref<128x128xf32, #tpu.memory_space<vmem_shared>>)
      tpu.yield
    }) : () -> ()
    %add3A_21 = arith.constant 256 : i32
    %add3A_22 = arith.addi %mul3A_0, %add3A_21 : i32
    "tpu.region"() ({
      %run_scoped3A = tpu.sem_alloc : memref<!tpu.dma_semaphore, #tpu.memory_space<semaphore_mem>>
      %dma_start3A_119 = arith.constant 0 : i32
      %dma_start3A_120 = tpu.memref_slice %arg5[%add3A_22, %dma_start3A_119] : memref<10240x128xf32, #tpu.memory_space<vmem_shared>> -> memref<128x128xf32, #tpu.memory_space<vmem_shared>>
      %dma_start3A_121 = arith.constant 0 : i32
      %dma_start3A_122 = tpu.memref_slice %arg5[%add3A_22, %dma_start3A_121] : memref<10240x128xf32, #tpu.memory_space<vmem_shared>> -> memref<128x128xf32, #tpu.memory_space<vmem_shared>>
      tpu.enqueue_dma source(%arg8 : memref<128x128xf32, #tpu.memory_space<vmem>>) target(%dma_start3A_122 : memref<128x128xf32, #tpu.memory_space<vmem_shared>>) target_semaphore(%run_scoped3A : memref<!tpu.dma_semaphore, #tpu.memory_space<semaphore_mem>>)
      %dma_wait3A_123 = arith.constant 0 : i32
      %dma_wait3A_124 = tpu.memref_slice %arg5[%add3A_22, %dma_wait3A_123] : memref<10240x128xf32, #tpu.memory_space<vmem_shared>> -> memref<128x128xf32, #tpu.memory_space<vmem_shared>>
      %dma_wait3A_125 = arith.constant 0 : i32
      %dma_wait3A_126 = tpu.memref_slice %arg5[%add3A_22, %dma_wait3A_125] : memref<10240x128xf32, #tpu.memory_space<vmem_shared>> -> memref<128x128xf32, #tpu.memory_space<vmem_shared>>
      tpu.wait_dma2 semaphore(%run_scoped3A : memref<!tpu.dma_semaphore, #tpu.memory_space<semaphore_mem>>) src(%arg8 : memref<128x128xf32, #tpu.memory_space<vmem>>) dst(%dma_wait3A_126 : memref<128x128xf32, #tpu.memory_space<vmem_shared>>)
      tpu.yield
    }) : () -> ()
    %add3A_23 = arith.constant 384 : i32
    %add3A_24 = arith.addi %mul3A_0, %add3A_23 : i32
    "tpu.region"() ({
      %run_scoped3A = tpu.sem_alloc : memref<!tpu.dma_semaphore, #tpu.memory_space<semaphore_mem>>
      %dma_start3A_119 = arith.constant 0 : i32
      %dma_start3A_120 = tpu.memref_slice %arg5[%add3A_24, %dma_start3A_119] : memref<10240x128xf32, #tpu.memory_space<vmem_shared>> -> memref<128x128xf32, #tpu.memory_space<vmem_shared>>
      %dma_start3A_121 = arith.constant 0 : i32
      %dma_start3A_122 = tpu.memref_slice %arg5[%add3A_24, %dma_start3A_121] : memref<10240x128xf32, #tpu.memory_space<vmem_shared>> -> memref<128x128xf32, #tpu.memory_space<vmem_shared>>
      tpu.enqueue_dma source(%arg8 : memref<128x128xf32, #tpu.memory_space<vmem>>) target(%dma_start3A_122 : memref<128x128xf32, #tpu.memory_space<vmem_shared>>) target_semaphore(%run_scoped3A : memref<!tpu.dma_semaphore, #tpu.memory_space<semaphore_mem>>)
      %dma_wait3A_123 = arith.constant 0 : i32
      %dma_wait3A_124 = tpu.memref_slice %arg5[%add3A_24, %dma_wait3A_123] : memref<10240x128xf32, #tpu.memory_space<vmem_shared>> -> memref<128x128xf32, #tpu.memory_space<vmem_shared>>
      %dma_wait3A_125 = arith.constant 0 : i32
      %dma_wait3A_126 = tpu.memref_slice %arg5[%add3A_24, %dma_wait3A_125] : memref<10240x128xf32, #tpu.memory_space<vmem_shared>> -> memref<128x128xf32, #tpu.memory_space<vmem_shared>>
      tpu.wait_dma2 semaphore(%run_scoped3A : memref<!tpu.dma_semaphore, #tpu.memory_space<semaphore_mem>>) src(%arg8 : memref<128x128xf32, #tpu.memory_space<vmem>>) dst(%dma_wait3A_126 : memref<128x128xf32, #tpu.memory_space<vmem_shared>>)
      tpu.yield
    }) : () -> ()
    %add3A_25 = arith.constant 512 : i32
    %add3A_26 = arith.addi %mul3A_0, %add3A_25 : i32
    "tpu.region"() ({
      %run_scoped3A = tpu.sem_alloc : memref<!tpu.dma_semaphore, #tpu.memory_space<semaphore_mem>>
      %dma_start3A_119 = arith.constant 0 : i32
      %dma_start3A_120 = tpu.memref_slice %arg5[%add3A_26, %dma_start3A_119] : memref<10240x128xf32, #tpu.memory_space<vmem_shared>> -> memref<128x128xf32, #tpu.memory_space<vmem_shared>>
      %dma_start3A_121 = arith.constant 0 : i32
      %dma_start3A_122 = tpu.memref_slice %arg5[%add3A_26, %dma_start3A_121] : memref<10240x128xf32, #tpu.memory_space<vmem_shared>> -> memref<128x128xf32, #tpu.memory_space<vmem_shared>>
      tpu.enqueue_dma source(%arg8 : memref<128x128xf32, #tpu.memory_space<vmem>>) target(%dma_start3A_122 : memref<128x128xf32, #tpu.memory_space<vmem_shared>>) target_semaphore(%run_scoped3A : memref<!tpu.dma_semaphore, #tpu.memory_space<semaphore_mem>>)
      %dma_wait3A_123 = arith.constant 0 : i32
      %dma_wait3A_124 = tpu.memref_slice %arg5[%add3A_26, %dma_wait3A_123] : memref<10240x128xf32, #tpu.memory_space<vmem_shared>> -> memref<128x128xf32, #tpu.memory_space<vmem_shared>>
      %dma_wait3A_125 = arith.constant 0 : i32
      %dma_wait3A_126 = tpu.memref_slice %arg5[%add3A_26, %dma_wait3A_125] : memref<10240x128xf32, #tpu.memory_space<vmem_shared>> -> memref<128x128xf32, #tpu.memory_space<vmem_shared>>
      tpu.wait_dma2 semaphore(%run_scoped3A : memref<!tpu.dma_semaphore, #tpu.memory_space<semaphore_mem>>) src(%arg8 : memref<128x128xf32, #tpu.memory_space<vmem>>) dst(%dma_wait3A_126 : memref<128x128xf32, #tpu.memory_space<vmem_shared>>)
      tpu.yield
    }) : () -> ()
    %add3A_27 = arith.constant 0 : i32
    %add3A_28 = arith.addi %select_n3A_10, %add3A_27 : i32
    %mul3A_29 = arith.constant 2 : i32
    %mul3A_30 = arith.muli %mul3A_29, %add3A_28 : i32
    "tpu.region"() ({
      %run_scoped3A = tpu.sem_alloc : memref<!tpu.dma_semaphore, #tpu.memory_space<semaphore_mem>>
      %dma_start3A_119 = arith.constant 0 : i32
      %dma_start3A_120 = tpu.memref_slice %arg3[%mul3A_30, %dma_start3A_119] : memref<5120x128xi32, #tpu.memory_space<hbm>> -> memref<2x128xi32, #tpu.memory_space<hbm>>
      %dma_start3A_121 = arith.constant 0 : i32
      %dma_start3A_122 = tpu.memref_slice %arg3[%mul3A_30, %dma_start3A_121] : memref<5120x128xi32, #tpu.memory_space<hbm>> -> memref<2x128xi32, #tpu.memory_space<hbm>>
      tpu.enqueue_dma source(%dma_start3A_122 : memref<2x128xi32, #tpu.memory_space<hbm>>) target(%arg6 : memref<2x128xi32, #tpu.memory_space<vmem>>) target_semaphore(%run_scoped3A : memref<!tpu.dma_semaphore, #tpu.memory_space<semaphore_mem>>)
      %dma_wait3A_123 = arith.constant 0 : i32
      %dma_wait3A_124 = tpu.memref_slice %arg3[%mul3A_30, %dma_wait3A_123] : memref<5120x128xi32, #tpu.memory_space<hbm>> -> memref<2x128xi32, #tpu.memory_space<hbm>>
      %dma_wait3A_125 = arith.constant 0 : i32
      %dma_wait3A_126 = tpu.memref_slice %arg3[%mul3A_30, %dma_wait3A_125] : memref<5120x128xi32, #tpu.memory_space<hbm>> -> memref<2x128xi32, #tpu.memory_space<hbm>>
      tpu.wait_dma2 semaphore(%run_scoped3A : memref<!tpu.dma_semaphore, #tpu.memory_space<semaphore_mem>>) src(%dma_wait3A_126 : memref<2x128xi32, #tpu.memory_space<hbm>>) dst(%arg6 : memref<2x128xi32, #tpu.memory_space<vmem>>)
      tpu.yield
    }) : () -> ()
    %dma_start3A = arith.constant 0 : i32
    %dma_start3A_31 = arith.constant 0 : i32
    %dma_start3A_32 = tpu.memref_slice %arg6[%dma_start3A, %dma_start3A_31] : memref<2x128xi32, #tpu.memory_space<vmem>> -> memref<1x128xi32, #tpu.memory_space<vmem>>
    %dma_start3A_33 = tpu.memref_squeeze %dma_start3A_32 : memref<1x128xi32, #tpu.memory_space<vmem>> -> memref<128xi32, #tpu.memory_space<vmem>>
    %dma_start3A_34 = arith.constant 0 : i32
    %dma_start3A_35 = arith.constant 0 : i32
    %dma_start3A_36 = tpu.memref_slice %arg2[%dma_start3A_34, %dma_start3A_35] : memref<10240x128xf32, #tpu.memory_space<hbm>> -> memref<10240x128xf32, #tpu.memory_space<hbm>>
    tpu.enqueue_indirect_dma source(%dma_start3A_36 : memref<10240x128xf32, #tpu.memory_space<hbm>>) target(%arg8 : memref<128x128xf32, #tpu.memory_space<vmem>>) offsets(%dma_start3A_33 : memref<128xi32, #tpu.memory_space<vmem>>) semaphore(%arg10 : memref<!tpu.dma_semaphore, #tpu.memory_space<semaphore_mem>>)
    %add3A_37 = arith.constant 1 : i32
    %add3A_38 = arith.addi %select_n3A_10, %add3A_37 : i32
    %mul3A_39 = arith.constant 2 : i32
    %mul3A_40 = arith.muli %mul3A_39, %add3A_38 : i32
    "tpu.region"() ({
      %run_scoped3A = tpu.sem_alloc : memref<!tpu.dma_semaphore, #tpu.memory_space<semaphore_mem>>
      %dma_start3A_119 = arith.constant 0 : i32
      %dma_start3A_120 = tpu.memref_slice %arg3[%mul3A_40, %dma_start3A_119] : memref<5120x128xi32, #tpu.memory_space<hbm>> -> memref<2x128xi32, #tpu.memory_space<hbm>>
      %dma_start3A_121 = arith.constant 0 : i32
      %dma_start3A_122 = tpu.memref_slice %arg3[%mul3A_40, %dma_start3A_121] : memref<5120x128xi32, #tpu.memory_space<hbm>> -> memref<2x128xi32, #tpu.memory_space<hbm>>
      tpu.enqueue_dma source(%dma_start3A_122 : memref<2x128xi32, #tpu.memory_space<hbm>>) target(%arg7 : memref<2x128xi32, #tpu.memory_space<vmem>>) target_semaphore(%run_scoped3A : memref<!tpu.dma_semaphore, #tpu.memory_space<semaphore_mem>>)
      %dma_wait3A_123 = arith.constant 0 : i32
      %dma_wait3A_124 = tpu.memref_slice %arg3[%mul3A_40, %dma_wait3A_123] : memref<5120x128xi32, #tpu.memory_space<hbm>> -> memref<2x128xi32, #tpu.memory_space<hbm>>
      %dma_wait3A_125 = arith.constant 0 : i32
      %dma_wait3A_126 = tpu.memref_slice %arg3[%mul3A_40, %dma_wait3A_125] : memref<5120x128xi32, #tpu.memory_space<hbm>> -> memref<2x128xi32, #tpu.memory_space<hbm>>
      tpu.wait_dma2 semaphore(%run_scoped3A : memref<!tpu.dma_semaphore, #tpu.memory_space<semaphore_mem>>) src(%dma_wait3A_126 : memref<2x128xi32, #tpu.memory_space<hbm>>) dst(%arg7 : memref<2x128xi32, #tpu.memory_space<vmem>>)
      tpu.yield
    }) : () -> ()
    %dma_start3A_41 = arith.constant 0 : i32
    %dma_start3A_42 = arith.constant 0 : i32
    %dma_start3A_43 = tpu.memref_slice %arg7[%dma_start3A_41, %dma_start3A_42] : memref<2x128xi32, #tpu.memory_space<vmem>> -> memref<1x128xi32, #tpu.memory_space<vmem>>
    %dma_start3A_44 = tpu.memref_squeeze %dma_start3A_43 : memref<1x128xi32, #tpu.memory_space<vmem>> -> memref<128xi32, #tpu.memory_space<vmem>>
    %dma_start3A_45 = arith.constant 0 : i32
    %dma_start3A_46 = arith.constant 0 : i32
    %dma_start3A_47 = tpu.memref_slice %arg2[%dma_start3A_45, %dma_start3A_46] : memref<10240x128xf32, #tpu.memory_space<hbm>> -> memref<10240x128xf32, #tpu.memory_space<hbm>>
    tpu.enqueue_indirect_dma source(%dma_start3A_47 : memref<10240x128xf32, #tpu.memory_space<hbm>>) target(%arg9 : memref<128x128xf32, #tpu.memory_space<vmem>>) offsets(%dma_start3A_44 : memref<128xi32, #tpu.memory_space<vmem>>) semaphore(%arg11 : memref<!tpu.dma_semaphore, #tpu.memory_space<semaphore_mem>>)
    %barrier3A = arith.constant 0 : index
    tpu.barrier barrier_id(%barrier3A)
    %dma_wait3A = arith.constant 0 : i32
    %dma_wait3A_48 = arith.constant 0 : i32
    %dma_wait3A_49 = tpu.memref_slice %arg6[%dma_wait3A, %dma_wait3A_48] : memref<2x128xi32, #tpu.memory_space<vmem>> -> memref<1x128xi32, #tpu.memory_space<vmem>>
    %dma_wait3A_50 = tpu.memref_squeeze %dma_wait3A_49 : memref<1x128xi32, #tpu.memory_space<vmem>> -> memref<128xi32, #tpu.memory_space<vmem>>
    %dma_wait3A_51 = arith.constant 0 : i32
    %dma_wait3A_52 = arith.constant 0 : i32
    %dma_wait3A_53 = tpu.memref_slice %arg2[%dma_wait3A_51, %dma_wait3A_52] : memref<10240x128xf32, #tpu.memory_space<hbm>> -> memref<10240x128xf32, #tpu.memory_space<hbm>>
    tpu.wait_indirect_dma semaphore(%arg10 : memref<!tpu.dma_semaphore, #tpu.memory_space<semaphore_mem>>) src(%dma_wait3A_53 : memref<10240x128xf32, #tpu.memory_space<hbm>>) dst(%arg8 : memref<128x128xf32, #tpu.memory_space<vmem>>)
    %dma_start3A_54 = arith.constant 1 : i32
    %dma_start3A_55 = arith.constant 0 : i32
    %dma_start3A_56 = tpu.memref_slice %arg6[%dma_start3A_54, %dma_start3A_55] : memref<2x128xi32, #tpu.memory_space<vmem>> -> memref<1x128xi32, #tpu.memory_space<vmem>>
    %dma_start3A_57 = tpu.memref_squeeze %dma_start3A_56 : memref<1x128xi32, #tpu.memory_space<vmem>> -> memref<128xi32, #tpu.memory_space<vmem>>
    %dma_start3A_58 = arith.constant 0 : i32
    %dma_start3A_59 = arith.constant 0 : i32
    %dma_start3A_60 = tpu.memref_slice %arg5[%dma_start3A_58, %dma_start3A_59] : memref<10240x128xf32, #tpu.memory_space<vmem_shared>> -> memref<10240x128xf32, #tpu.memory_space<vmem_shared>>
    tpu.enqueue_indirect_dma source(%arg8 : memref<128x128xf32, #tpu.memory_space<vmem>>) target(%dma_start3A_60 : memref<10240x128xf32, #tpu.memory_space<vmem_shared>>) offsets(%dma_start3A_57 : memref<128xi32, #tpu.memory_space<vmem>>) semaphore(%arg12 : memref<!tpu.dma_semaphore, #tpu.memory_space<semaphore_mem>>) {add = true}
    %sub3A = arith.constant 2 : i32
    %sub3A_61 = arith.subi %select_n3A, %sub3A : i32
    %jit3A_62 = arith.constant 2 : i32
    %div3A = arith.divsi %sub3A_61, %jit3A_62 : i32
    %sign3A = arith.constant 0 : i32
    %sign3A_63 = arith.cmpi sgt, %sub3A_61, %sign3A : i32
    %sign3A_64 = arith.extui %sign3A_63 : i1 to i32
    %sign3A_65 = arith.constant 0 : i32
    %sign3A_66 = arith.cmpi slt, %sub3A_61, %sign3A_65 : i32
    %sign3A_67 = arith.extui %sign3A_66 : i1 to i32
    %sign3A_68 = arith.subi %sign3A_64, %sign3A_67 : i32
    %sign3A_69 = arith.constant 0 : i32
    %sign3A_70 = arith.cmpi sgt, %jit3A_62, %sign3A_69 : i32
    %sign3A_71 = arith.extui %sign3A_70 : i1 to i32
    %sign3A_72 = arith.constant 0 : i32
    %sign3A_73 = arith.cmpi slt, %jit3A_62, %sign3A_72 : i32
    %sign3A_74 = arith.extui %sign3A_73 : i1 to i32
    %sign3A_75 = arith.subi %sign3A_71, %sign3A_74 : i32
    %ne3A = arith.cmpi ne, %sign3A_68, %sign3A_75 : i32
    %rem3A = arith.remsi %sub3A_61, %jit3A_62 : i32
    %ne3A_76 = arith.constant 0 : i32
    %ne3A_77 = arith.cmpi ne, %rem3A, %ne3A_76 : i32
    %and3A = arith.andi %ne3A, %ne3A_77 : i1
    %sub3A_78 = arith.constant 1 : i32
    %sub3A_79 = arith.subi %div3A, %sub3A_78 : i32
    %select_n3A_80 = arith.select %and3A, %sub3A_79, %div3A : i32
    %while3A = arith.constant 0 : i32
    %while3A_81 = arith.constant 0 : i32
    %while3A_82 = arith.subi %select_n3A_80, %while3A_81 : i32
    %while3A_83 = arith.addi %while3A_81, %while3A_82 : i32
    %while3A_84 = arith.constant 1 : i32
    %while3A_85 = arith.divsi %while3A_82, %while3A_84 : i32
    %while3A_86 = arith.muli %while3A_85, %while3A_84 : i32
    %while3A_87 = arith.addi %while3A_81, %while3A_86 : i32
    %while3A_88 = arith.constant 1 : i32
    scf.for %while3A_119 = %while3A_81 to %while3A_87 step %while3A_88  : i32 {
      %mul3A_120 = arith.constant 2 : i32
      %mul3A_121 = arith.muli %mul3A_120, %while3A_119 : i32
      %add3A_122 = arith.constant 1 : i32
      %add3A_123 = arith.addi %mul3A_121, %add3A_122 : i32
      %dma_wait3A_124 = arith.constant 1 : i32
      %dma_wait3A_125 = arith.constant 0 : i32
      %dma_wait3A_126 = tpu.memref_slice %arg6[%dma_wait3A_124, %dma_wait3A_125] : memref<2x128xi32, #tpu.memory_space<vmem>> -> memref<1x128xi32, #tpu.memory_space<vmem>>
      %dma_wait3A_127 = tpu.memref_squeeze %dma_wait3A_126 : memref<1x128xi32, #tpu.memory_space<vmem>> -> memref<128xi32, #tpu.memory_space<vmem>>
      %dma_wait3A_128 = arith.constant 0 : i32
      %dma_wait3A_129 = arith.constant 0 : i32
      %dma_wait3A_130 = tpu.memref_slice %arg5[%dma_wait3A_128, %dma_wait3A_129] : memref<10240x128xf32, #tpu.memory_space<vmem_shared>> -> memref<10240x128xf32, #tpu.memory_space<vmem_shared>>
      tpu.wait_indirect_dma semaphore(%arg12 : memref<!tpu.dma_semaphore, #tpu.memory_space<semaphore_mem>>) src(%arg8 : memref<128x128xf32, #tpu.memory_space<vmem>>) dst(%dma_wait3A_130 : memref<10240x128xf32, #tpu.memory_space<vmem_shared>>)
      %add3A_131 = arith.constant 1 : i32
      %add3A_132 = arith.addi %add3A_123, %add3A_131 : i32
      %add3A_133 = arith.addi %select_n3A_10, %add3A_132 : i32
      %mul3A_134 = arith.constant 2 : i32
      %mul3A_135 = arith.muli %mul3A_134, %add3A_133 : i32
      "tpu.region"() ({
        %run_scoped3A = tpu.sem_alloc : memref<!tpu.dma_semaphore, #tpu.memory_space<semaphore_mem>>
        %dma_start3A_194 = arith.constant 0 : i32
        %dma_start3A_195 = tpu.memref_slice %arg3[%mul3A_135, %dma_start3A_194] : memref<5120x128xi32, #tpu.memory_space<hbm>> -> memref<2x128xi32, #tpu.memory_space<hbm>>
        %dma_start3A_196 = arith.constant 0 : i32
        %dma_start3A_197 = tpu.memref_slice %arg3[%mul3A_135, %dma_start3A_196] : memref<5120x128xi32, #tpu.memory_space<hbm>> -> memref<2x128xi32, #tpu.memory_space<hbm>>
        tpu.enqueue_dma source(%dma_start3A_197 : memref<2x128xi32, #tpu.memory_space<hbm>>) target(%arg6 : memref<2x128xi32, #tpu.memory_space<vmem>>) target_semaphore(%run_scoped3A : memref<!tpu.dma_semaphore, #tpu.memory_space<semaphore_mem>>)
        %dma_wait3A_198 = arith.constant 0 : i32
        %dma_wait3A_199 = tpu.memref_slice %arg3[%mul3A_135, %dma_wait3A_198] : memref<5120x128xi32, #tpu.memory_space<hbm>> -> memref<2x128xi32, #tpu.memory_space<hbm>>
        %dma_wait3A_200 = arith.constant 0 : i32
        %dma_wait3A_201 = tpu.memref_slice %arg3[%mul3A_135, %dma_wait3A_200] : memref<5120x128xi32, #tpu.memory_space<hbm>> -> memref<2x128xi32, #tpu.memory_space<hbm>>
        tpu.wait_dma2 semaphore(%run_scoped3A : memref<!tpu.dma_semaphore, #tpu.memory_space<semaphore_mem>>) src(%dma_wait3A_201 : memref<2x128xi32, #tpu.memory_space<hbm>>) dst(%arg6 : memref<2x128xi32, #tpu.memory_space<vmem>>)
        tpu.yield
      }) : () -> ()
      %dma_start3A_136 = arith.constant 0 : i32
      %dma_start3A_137 = arith.constant 0 : i32
      %dma_start3A_138 = tpu.memref_slice %arg6[%dma_start3A_136, %dma_start3A_137] : memref<2x128xi32, #tpu.memory_space<vmem>> -> memref<1x128xi32, #tpu.memory_space<vmem>>
      %dma_start3A_139 = tpu.memref_squeeze %dma_start3A_138 : memref<1x128xi32, #tpu.memory_space<vmem>> -> memref<128xi32, #tpu.memory_space<vmem>>
      %dma_start3A_140 = arith.constant 0 : i32
      %dma_start3A_141 = arith.constant 0 : i32
      %dma_start3A_142 = tpu.memref_slice %arg2[%dma_start3A_140, %dma_start3A_141] : memref<10240x128xf32, #tpu.memory_space<hbm>> -> memref<10240x128xf32, #tpu.memory_space<hbm>>
      tpu.enqueue_indirect_dma source(%dma_start3A_142 : memref<10240x128xf32, #tpu.memory_space<hbm>>) target(%arg8 : memref<128x128xf32, #tpu.memory_space<vmem>>) offsets(%dma_start3A_139 : memref<128xi32, #tpu.memory_space<vmem>>) semaphore(%arg10 : memref<!tpu.dma_semaphore, #tpu.memory_space<semaphore_mem>>)
      %dma_wait3A_143 = arith.constant 0 : i32
      %dma_wait3A_144 = arith.constant 0 : i32
      %dma_wait3A_145 = tpu.memref_slice %arg7[%dma_wait3A_143, %dma_wait3A_144] : memref<2x128xi32, #tpu.memory_space<vmem>> -> memref<1x128xi32, #tpu.memory_space<vmem>>
      %dma_wait3A_146 = tpu.memref_squeeze %dma_wait3A_145 : memref<1x128xi32, #tpu.memory_space<vmem>> -> memref<128xi32, #tpu.memory_space<vmem>>
      %dma_wait3A_147 = arith.constant 0 : i32
      %dma_wait3A_148 = arith.constant 0 : i32
      %dma_wait3A_149 = tpu.memref_slice %arg2[%dma_wait3A_147, %dma_wait3A_148] : memref<10240x128xf32, #tpu.memory_space<hbm>> -> memref<10240x128xf32, #tpu.memory_space<hbm>>
      tpu.wait_indirect_dma semaphore(%arg11 : memref<!tpu.dma_semaphore, #tpu.memory_space<semaphore_mem>>) src(%dma_wait3A_149 : memref<10240x128xf32, #tpu.memory_space<hbm>>) dst(%arg9 : memref<128x128xf32, #tpu.memory_space<vmem>>)
      %dma_start3A_150 = arith.constant 1 : i32
      %dma_start3A_151 = arith.constant 0 : i32
      %dma_start3A_152 = tpu.memref_slice %arg7[%dma_start3A_150, %dma_start3A_151] : memref<2x128xi32, #tpu.memory_space<vmem>> -> memref<1x128xi32, #tpu.memory_space<vmem>>
      %dma_start3A_153 = tpu.memref_squeeze %dma_start3A_152 : memref<1x128xi32, #tpu.memory_space<vmem>> -> memref<128xi32, #tpu.memory_space<vmem>>
      %dma_start3A_154 = arith.constant 0 : i32
      %dma_start3A_155 = arith.constant 0 : i32
      %dma_start3A_156 = tpu.memref_slice %arg5[%dma_start3A_154, %dma_start3A_155] : memref<10240x128xf32, #tpu.memory_space<vmem_shared>> -> memref<10240x128xf32, #tpu.memory_space<vmem_shared>>
      tpu.enqueue_indirect_dma source(%arg9 : memref<128x128xf32, #tpu.memory_space<vmem>>) target(%dma_start3A_156 : memref<10240x128xf32, #tpu.memory_space<vmem_shared>>) offsets(%dma_start3A_153 : memref<128xi32, #tpu.memory_space<vmem>>) semaphore(%arg13 : memref<!tpu.dma_semaphore, #tpu.memory_space<semaphore_mem>>) {add = true}
      %mul3A_157 = arith.constant 2 : i32
      %mul3A_158 = arith.muli %mul3A_157, %while3A_119 : i32
      %add3A_159 = arith.constant 2 : i32
      %add3A_160 = arith.addi %mul3A_158, %add3A_159 : i32
      %dma_wait3A_161 = arith.constant 1 : i32
      %dma_wait3A_162 = arith.constant 0 : i32
      %dma_wait3A_163 = tpu.memref_slice %arg7[%dma_wait3A_161, %dma_wait3A_162] : memref<2x128xi32, #tpu.memory_space<vmem>> -> memref<1x128xi32, #tpu.memory_space<vmem>>
      %dma_wait3A_164 = tpu.memref_squeeze %dma_wait3A_163 : memref<1x128xi32, #tpu.memory_space<vmem>> -> memref<128xi32, #tpu.memory_space<vmem>>
      %dma_wait3A_165 = arith.constant 0 : i32
      %dma_wait3A_166 = arith.constant 0 : i32
      %dma_wait3A_167 = tpu.memref_slice %arg5[%dma_wait3A_165, %dma_wait3A_166] : memref<10240x128xf32, #tpu.memory_space<vmem_shared>> -> memref<10240x128xf32, #tpu.memory_space<vmem_shared>>
      tpu.wait_indirect_dma semaphore(%arg13 : memref<!tpu.dma_semaphore, #tpu.memory_space<semaphore_mem>>) src(%arg9 : memref<128x128xf32, #tpu.memory_space<vmem>>) dst(%dma_wait3A_167 : memref<10240x128xf32, #tpu.memory_space<vmem_shared>>)
      %add3A_168 = arith.constant 1 : i32
      %add3A_169 = arith.addi %add3A_160, %add3A_168 : i32
      %add3A_170 = arith.addi %select_n3A_10, %add3A_169 : i32
      %mul3A_171 = arith.constant 2 : i32
      %mul3A_172 = arith.muli %mul3A_171, %add3A_170 : i32
      "tpu.region"() ({
        %run_scoped3A = tpu.sem_alloc : memref<!tpu.dma_semaphore, #tpu.memory_space<semaphore_mem>>
        %dma_start3A_194 = arith.constant 0 : i32
        %dma_start3A_195 = tpu.memref_slice %arg3[%mul3A_172, %dma_start3A_194] : memref<5120x128xi32, #tpu.memory_space<hbm>> -> memref<2x128xi32, #tpu.memory_space<hbm>>
        %dma_start3A_196 = arith.constant 0 : i32
        %dma_start3A_197 = tpu.memref_slice %arg3[%mul3A_172, %dma_start3A_196] : memref<5120x128xi32, #tpu.memory_space<hbm>> -> memref<2x128xi32, #tpu.memory_space<hbm>>
        tpu.enqueue_dma source(%dma_start3A_197 : memref<2x128xi32, #tpu.memory_space<hbm>>) target(%arg7 : memref<2x128xi32, #tpu.memory_space<vmem>>) target_semaphore(%run_scoped3A : memref<!tpu.dma_semaphore, #tpu.memory_space<semaphore_mem>>)
        %dma_wait3A_198 = arith.constant 0 : i32
        %dma_wait3A_199 = tpu.memref_slice %arg3[%mul3A_172, %dma_wait3A_198] : memref<5120x128xi32, #tpu.memory_space<hbm>> -> memref<2x128xi32, #tpu.memory_space<hbm>>
        %dma_wait3A_200 = arith.constant 0 : i32
        %dma_wait3A_201 = tpu.memref_slice %arg3[%mul3A_172, %dma_wait3A_200] : memref<5120x128xi32, #tpu.memory_space<hbm>> -> memref<2x128xi32, #tpu.memory_space<hbm>>
        tpu.wait_dma2 semaphore(%run_scoped3A : memref<!tpu.dma_semaphore, #tpu.memory_space<semaphore_mem>>) src(%dma_wait3A_201 : memref<2x128xi32, #tpu.memory_space<hbm>>) dst(%arg7 : memref<2x128xi32, #tpu.memory_space<vmem>>)
        tpu.yield
      }) : () -> ()
      %dma_start3A_173 = arith.constant 0 : i32
      %dma_start3A_174 = arith.constant 0 : i32
      %dma_start3A_175 = tpu.memref_slice %arg7[%dma_start3A_173, %dma_start3A_174] : memref<2x128xi32, #tpu.memory_space<vmem>> -> memref<1x128xi32, #tpu.memory_space<vmem>>
      %dma_start3A_176 = tpu.memref_squeeze %dma_start3A_175 : memref<1x128xi32, #tpu.memory_space<vmem>> -> memref<128xi32, #tpu.memory_space<vmem>>
      %dma_start3A_177 = arith.constant 0 : i32
      %dma_start3A_178 = arith.constant 0 : i32
      %dma_start3A_179 = tpu.memref_slice %arg2[%dma_start3A_177, %dma_start3A_178] : memref<10240x128xf32, #tpu.memory_space<hbm>> -> memref<10240x128xf32, #tpu.memory_space<hbm>>
      tpu.enqueue_indirect_dma source(%dma_start3A_179 : memref<10240x128xf32, #tpu.memory_space<hbm>>) target(%arg9 : memref<128x128xf32, #tpu.memory_space<vmem>>) offsets(%dma_start3A_176 : memref<128xi32, #tpu.memory_space<vmem>>) semaphore(%arg11 : memref<!tpu.dma_semaphore, #tpu.memory_space<semaphore_mem>>)
      %dma_wait3A_180 = arith.constant 0 : i32
      %dma_wait3A_181 = arith.constant 0 : i32
      %dma_wait3A_182 = tpu.memref_slice %arg6[%dma_wait3A_180, %dma_wait3A_181] : memref<2x128xi32, #tpu.memory_space<vmem>> -> memref<1x128xi32, #tpu.memory_space<vmem>>
      %dma_wait3A_183 = tpu.memref_squeeze %dma_wait3A_182 : memref<1x128xi32, #tpu.memory_space<vmem>> -> memref<128xi32, #tpu.memory_space<vmem>>
      %dma_wait3A_184 = arith.constant 0 : i32
      %dma_wait3A_185 = arith.constant 0 : i32
      %dma_wait3A_186 = tpu.memref_slice %arg2[%dma_wait3A_184, %dma_wait3A_185] : memref<10240x128xf32, #tpu.memory_space<hbm>> -> memref<10240x128xf32, #tpu.memory_space<hbm>>
      tpu.wait_indirect_dma semaphore(%arg10 : memref<!tpu.dma_semaphore, #tpu.memory_space<semaphore_mem>>) src(%dma_wait3A_186 : memref<10240x128xf32, #tpu.memory_space<hbm>>) dst(%arg8 : memref<128x128xf32, #tpu.memory_space<vmem>>)
      %dma_start3A_187 = arith.constant 1 : i32
      %dma_start3A_188 = arith.constant 0 : i32
      %dma_start3A_189 = tpu.memref_slice %arg6[%dma_start3A_187, %dma_start3A_188] : memref<2x128xi32, #tpu.memory_space<vmem>> -> memref<1x128xi32, #tpu.memory_space<vmem>>
      %dma_start3A_190 = tpu.memref_squeeze %dma_start3A_189 : memref<1x128xi32, #tpu.memory_space<vmem>> -> memref<128xi32, #tpu.memory_space<vmem>>
      %dma_start3A_191 = arith.constant 0 : i32
      %dma_start3A_192 = arith.constant 0 : i32
      %dma_start3A_193 = tpu.memref_slice %arg5[%dma_start3A_191, %dma_start3A_192] : memref<10240x128xf32, #tpu.memory_space<vmem_shared>> -> memref<10240x128xf32, #tpu.memory_space<vmem_shared>>
      tpu.enqueue_indirect_dma source(%arg8 : memref<128x128xf32, #tpu.memory_space<vmem>>) target(%dma_start3A_193 : memref<10240x128xf32, #tpu.memory_space<vmem_shared>>) offsets(%dma_start3A_190 : memref<128xi32, #tpu.memory_space<vmem>>) semaphore(%arg12 : memref<!tpu.dma_semaphore, #tpu.memory_space<semaphore_mem>>) {add = true}
    }
    %while3A_89 = arith.constant 1 : i32
    scf.for %while3A_119 = %while3A_87 to %while3A_83 step %while3A_89  : i32 {
      %mul3A_120 = arith.constant 2 : i32
      %mul3A_121 = arith.muli %mul3A_120, %while3A_119 : i32
      %add3A_122 = arith.constant 1 : i32
      %add3A_123 = arith.addi %mul3A_121, %add3A_122 : i32
      %dma_wait3A_124 = arith.constant 1 : i32
      %dma_wait3A_125 = arith.constant 0 : i32
      %dma_wait3A_126 = tpu.memref_slice %arg6[%dma_wait3A_124, %dma_wait3A_125] : memref<2x128xi32, #tpu.memory_space<vmem>> -> memref<1x128xi32, #tpu.memory_space<vmem>>
      %dma_wait3A_127 = tpu.memref_squeeze %dma_wait3A_126 : memref<1x128xi32, #tpu.memory_space<vmem>> -> memref<128xi32, #tpu.memory_space<vmem>>
      %dma_wait3A_128 = arith.constant 0 : i32
      %dma_wait3A_129 = arith.constant 0 : i32
      %dma_wait3A_130 = tpu.memref_slice %arg5[%dma_wait3A_128, %dma_wait3A_129] : memref<10240x128xf32, #tpu.memory_space<vmem_shared>> -> memref<10240x128xf32, #tpu.memory_space<vmem_shared>>
      tpu.wait_indirect_dma semaphore(%arg12 : memref<!tpu.dma_semaphore, #tpu.memory_space<semaphore_mem>>) src(%arg8 : memref<128x128xf32, #tpu.memory_space<vmem>>) dst(%dma_wait3A_130 : memref<10240x128xf32, #tpu.memory_space<vmem_shared>>)
      %add3A_131 = arith.constant 1 : i32
      %add3A_132 = arith.addi %add3A_123, %add3A_131 : i32
      %add3A_133 = arith.addi %select_n3A_10, %add3A_132 : i32
      %mul3A_134 = arith.constant 2 : i32
      %mul3A_135 = arith.muli %mul3A_134, %add3A_133 : i32
      "tpu.region"() ({
        %run_scoped3A = tpu.sem_alloc : memref<!tpu.dma_semaphore, #tpu.memory_space<semaphore_mem>>
        %dma_start3A_194 = arith.constant 0 : i32
        %dma_start3A_195 = tpu.memref_slice %arg3[%mul3A_135, %dma_start3A_194] : memref<5120x128xi32, #tpu.memory_space<hbm>> -> memref<2x128xi32, #tpu.memory_space<hbm>>
        %dma_start3A_196 = arith.constant 0 : i32
        %dma_start3A_197 = tpu.memref_slice %arg3[%mul3A_135, %dma_start3A_196] : memref<5120x128xi32, #tpu.memory_space<hbm>> -> memref<2x128xi32, #tpu.memory_space<hbm>>
        tpu.enqueue_dma source(%dma_start3A_197 : memref<2x128xi32, #tpu.memory_space<hbm>>) target(%arg6 : memref<2x128xi32, #tpu.memory_space<vmem>>) target_semaphore(%run_scoped3A : memref<!tpu.dma_semaphore, #tpu.memory_space<semaphore_mem>>)
        %dma_wait3A_198 = arith.constant 0 : i32
        %dma_wait3A_199 = tpu.memref_slice %arg3[%mul3A_135, %dma_wait3A_198] : memref<5120x128xi32, #tpu.memory_space<hbm>> -> memref<2x128xi32, #tpu.memory_space<hbm>>
        %dma_wait3A_200 = arith.constant 0 : i32
        %dma_wait3A_201 = tpu.memref_slice %arg3[%mul3A_135, %dma_wait3A_200] : memref<5120x128xi32, #tpu.memory_space<hbm>> -> memref<2x128xi32, #tpu.memory_space<hbm>>
        tpu.wait_dma2 semaphore(%run_scoped3A : memref<!tpu.dma_semaphore, #tpu.memory_space<semaphore_mem>>) src(%dma_wait3A_201 : memref<2x128xi32, #tpu.memory_space<hbm>>) dst(%arg6 : memref<2x128xi32, #tpu.memory_space<vmem>>)
        tpu.yield
      }) : () -> ()
      %dma_start3A_136 = arith.constant 0 : i32
      %dma_start3A_137 = arith.constant 0 : i32
      %dma_start3A_138 = tpu.memref_slice %arg6[%dma_start3A_136, %dma_start3A_137] : memref<2x128xi32, #tpu.memory_space<vmem>> -> memref<1x128xi32, #tpu.memory_space<vmem>>
      %dma_start3A_139 = tpu.memref_squeeze %dma_start3A_138 : memref<1x128xi32, #tpu.memory_space<vmem>> -> memref<128xi32, #tpu.memory_space<vmem>>
      %dma_start3A_140 = arith.constant 0 : i32
      %dma_start3A_141 = arith.constant 0 : i32
      %dma_start3A_142 = tpu.memref_slice %arg2[%dma_start3A_140, %dma_start3A_141] : memref<10240x128xf32, #tpu.memory_space<hbm>> -> memref<10240x128xf32, #tpu.memory_space<hbm>>
      tpu.enqueue_indirect_dma source(%dma_start3A_142 : memref<10240x128xf32, #tpu.memory_space<hbm>>) target(%arg8 : memref<128x128xf32, #tpu.memory_space<vmem>>) offsets(%dma_start3A_139 : memref<128xi32, #tpu.memory_space<vmem>>) semaphore(%arg10 : memref<!tpu.dma_semaphore, #tpu.memory_space<semaphore_mem>>)
      %dma_wait3A_143 = arith.constant 0 : i32
      %dma_wait3A_144 = arith.constant 0 : i32
      %dma_wait3A_145 = tpu.memref_slice %arg7[%dma_wait3A_143, %dma_wait3A_144] : memref<2x128xi32, #tpu.memory_space<vmem>> -> memref<1x128xi32, #tpu.memory_space<vmem>>
      %dma_wait3A_146 = tpu.memref_squeeze %dma_wait3A_145 : memref<1x128xi32, #tpu.memory_space<vmem>> -> memref<128xi32, #tpu.memory_space<vmem>>
      %dma_wait3A_147 = arith.constant 0 : i32
      %dma_wait3A_148 = arith.constant 0 : i32
      %dma_wait3A_149 = tpu.memref_slice %arg2[%dma_wait3A_147, %dma_wait3A_148] : memref<10240x128xf32, #tpu.memory_space<hbm>> -> memref<10240x128xf32, #tpu.memory_space<hbm>>
      tpu.wait_indirect_dma semaphore(%arg11 : memref<!tpu.dma_semaphore, #tpu.memory_space<semaphore_mem>>) src(%dma_wait3A_149 : memref<10240x128xf32, #tpu.memory_space<hbm>>) dst(%arg9 : memref<128x128xf32, #tpu.memory_space<vmem>>)
      %dma_start3A_150 = arith.constant 1 : i32
      %dma_start3A_151 = arith.constant 0 : i32
      %dma_start3A_152 = tpu.memref_slice %arg7[%dma_start3A_150, %dma_start3A_151] : memref<2x128xi32, #tpu.memory_space<vmem>> -> memref<1x128xi32, #tpu.memory_space<vmem>>
      %dma_start3A_153 = tpu.memref_squeeze %dma_start3A_152 : memref<1x128xi32, #tpu.memory_space<vmem>> -> memref<128xi32, #tpu.memory_space<vmem>>
      %dma_start3A_154 = arith.constant 0 : i32
      %dma_start3A_155 = arith.constant 0 : i32
      %dma_start3A_156 = tpu.memref_slice %arg5[%dma_start3A_154, %dma_start3A_155] : memref<10240x128xf32, #tpu.memory_space<vmem_shared>> -> memref<10240x128xf32, #tpu.memory_space<vmem_shared>>
      tpu.enqueue_indirect_dma source(%arg9 : memref<128x128xf32, #tpu.memory_space<vmem>>) target(%dma_start3A_156 : memref<10240x128xf32, #tpu.memory_space<vmem_shared>>) offsets(%dma_start3A_153 : memref<128xi32, #tpu.memory_space<vmem>>) semaphore(%arg13 : memref<!tpu.dma_semaphore, #tpu.memory_space<semaphore_mem>>) {add = true}
      %mul3A_157 = arith.constant 2 : i32
      %mul3A_158 = arith.muli %mul3A_157, %while3A_119 : i32
      %add3A_159 = arith.constant 2 : i32
      %add3A_160 = arith.addi %mul3A_158, %add3A_159 : i32
      %dma_wait3A_161 = arith.constant 1 : i32
      %dma_wait3A_162 = arith.constant 0 : i32
      %dma_wait3A_163 = tpu.memref_slice %arg7[%dma_wait3A_161, %dma_wait3A_162] : memref<2x128xi32, #tpu.memory_space<vmem>> -> memref<1x128xi32, #tpu.memory_space<vmem>>
      %dma_wait3A_164 = tpu.memref_squeeze %dma_wait3A_163 : memref<1x128xi32, #tpu.memory_space<vmem>> -> memref<128xi32, #tpu.memory_space<vmem>>
      %dma_wait3A_165 = arith.constant 0 : i32
      %dma_wait3A_166 = arith.constant 0 : i32
      %dma_wait3A_167 = tpu.memref_slice %arg5[%dma_wait3A_165, %dma_wait3A_166] : memref<10240x128xf32, #tpu.memory_space<vmem_shared>> -> memref<10240x128xf32, #tpu.memory_space<vmem_shared>>
      tpu.wait_indirect_dma semaphore(%arg13 : memref<!tpu.dma_semaphore, #tpu.memory_space<semaphore_mem>>) src(%arg9 : memref<128x128xf32, #tpu.memory_space<vmem>>) dst(%dma_wait3A_167 : memref<10240x128xf32, #tpu.memory_space<vmem_shared>>)
      %add3A_168 = arith.constant 1 : i32
      %add3A_169 = arith.addi %add3A_160, %add3A_168 : i32
      %add3A_170 = arith.addi %select_n3A_10, %add3A_169 : i32
      %mul3A_171 = arith.constant 2 : i32
      %mul3A_172 = arith.muli %mul3A_171, %add3A_170 : i32
      "tpu.region"() ({
        %run_scoped3A = tpu.sem_alloc : memref<!tpu.dma_semaphore, #tpu.memory_space<semaphore_mem>>
        %dma_start3A_194 = arith.constant 0 : i32
        %dma_start3A_195 = tpu.memref_slice %arg3[%mul3A_172, %dma_start3A_194] : memref<5120x128xi32, #tpu.memory_space<hbm>> -> memref<2x128xi32, #tpu.memory_space<hbm>>
        %dma_start3A_196 = arith.constant 0 : i32
        %dma_start3A_197 = tpu.memref_slice %arg3[%mul3A_172, %dma_start3A_196] : memref<5120x128xi32, #tpu.memory_space<hbm>> -> memref<2x128xi32, #tpu.memory_space<hbm>>
        tpu.enqueue_dma source(%dma_start3A_197 : memref<2x128xi32, #tpu.memory_space<hbm>>) target(%arg7 : memref<2x128xi32, #tpu.memory_space<vmem>>) target_semaphore(%run_scoped3A : memref<!tpu.dma_semaphore, #tpu.memory_space<semaphore_mem>>)
        %dma_wait3A_198 = arith.constant 0 : i32
        %dma_wait3A_199 = tpu.memref_slice %arg3[%mul3A_172, %dma_wait3A_198] : memref<5120x128xi32, #tpu.memory_space<hbm>> -> memref<2x128xi32, #tpu.memory_space<hbm>>
        %dma_wait3A_200 = arith.constant 0 : i32
        %dma_wait3A_201 = tpu.memref_slice %arg3[%mul3A_172, %dma_wait3A_200] : memref<5120x128xi32, #tpu.memory_space<hbm>> -> memref<2x128xi32, #tpu.memory_space<hbm>>
        tpu.wait_dma2 semaphore(%run_scoped3A : memref<!tpu.dma_semaphore, #tpu.memory_space<semaphore_mem>>) src(%dma_wait3A_201 : memref<2x128xi32, #tpu.memory_space<hbm>>) dst(%arg7 : memref<2x128xi32, #tpu.memory_space<vmem>>)
        tpu.yield
      }) : () -> ()
      %dma_start3A_173 = arith.constant 0 : i32
      %dma_start3A_174 = arith.constant 0 : i32
      %dma_start3A_175 = tpu.memref_slice %arg7[%dma_start3A_173, %dma_start3A_174] : memref<2x128xi32, #tpu.memory_space<vmem>> -> memref<1x128xi32, #tpu.memory_space<vmem>>
      %dma_start3A_176 = tpu.memref_squeeze %dma_start3A_175 : memref<1x128xi32, #tpu.memory_space<vmem>> -> memref<128xi32, #tpu.memory_space<vmem>>
      %dma_start3A_177 = arith.constant 0 : i32
      %dma_start3A_178 = arith.constant 0 : i32
      %dma_start3A_179 = tpu.memref_slice %arg2[%dma_start3A_177, %dma_start3A_178] : memref<10240x128xf32, #tpu.memory_space<hbm>> -> memref<10240x128xf32, #tpu.memory_space<hbm>>
      tpu.enqueue_indirect_dma source(%dma_start3A_179 : memref<10240x128xf32, #tpu.memory_space<hbm>>) target(%arg9 : memref<128x128xf32, #tpu.memory_space<vmem>>) offsets(%dma_start3A_176 : memref<128xi32, #tpu.memory_space<vmem>>) semaphore(%arg11 : memref<!tpu.dma_semaphore, #tpu.memory_space<semaphore_mem>>)
      %dma_wait3A_180 = arith.constant 0 : i32
      %dma_wait3A_181 = arith.constant 0 : i32
      %dma_wait3A_182 = tpu.memref_slice %arg6[%dma_wait3A_180, %dma_wait3A_181] : memref<2x128xi32, #tpu.memory_space<vmem>> -> memref<1x128xi32, #tpu.memory_space<vmem>>
      %dma_wait3A_183 = tpu.memref_squeeze %dma_wait3A_182 : memref<1x128xi32, #tpu.memory_space<vmem>> -> memref<128xi32, #tpu.memory_space<vmem>>
      %dma_wait3A_184 = arith.constant 0 : i32
      %dma_wait3A_185 = arith.constant 0 : i32
      %dma_wait3A_186 = tpu.memref_slice %arg2[%dma_wait3A_184, %dma_wait3A_185] : memref<10240x128xf32, #tpu.memory_space<hbm>> -> memref<10240x128xf32, #tpu.memory_space<hbm>>
      tpu.wait_indirect_dma semaphore(%arg10 : memref<!tpu.dma_semaphore, #tpu.memory_space<semaphore_mem>>) src(%dma_wait3A_186 : memref<10240x128xf32, #tpu.memory_space<hbm>>) dst(%arg8 : memref<128x128xf32, #tpu.memory_space<vmem>>)
      %dma_start3A_187 = arith.constant 1 : i32
      %dma_start3A_188 = arith.constant 0 : i32
      %dma_start3A_189 = tpu.memref_slice %arg6[%dma_start3A_187, %dma_start3A_188] : memref<2x128xi32, #tpu.memory_space<vmem>> -> memref<1x128xi32, #tpu.memory_space<vmem>>
      %dma_start3A_190 = tpu.memref_squeeze %dma_start3A_189 : memref<1x128xi32, #tpu.memory_space<vmem>> -> memref<128xi32, #tpu.memory_space<vmem>>
      %dma_start3A_191 = arith.constant 0 : i32
      %dma_start3A_192 = arith.constant 0 : i32
      %dma_start3A_193 = tpu.memref_slice %arg5[%dma_start3A_191, %dma_start3A_192] : memref<10240x128xf32, #tpu.memory_space<vmem_shared>> -> memref<10240x128xf32, #tpu.memory_space<vmem_shared>>
      tpu.enqueue_indirect_dma source(%arg8 : memref<128x128xf32, #tpu.memory_space<vmem>>) target(%dma_start3A_193 : memref<10240x128xf32, #tpu.memory_space<vmem_shared>>) offsets(%dma_start3A_190 : memref<128xi32, #tpu.memory_space<vmem>>) semaphore(%arg12 : memref<!tpu.dma_semaphore, #tpu.memory_space<semaphore_mem>>) {add = true}
    }
    %dma_wait3A_90 = arith.constant 1 : i32
    %dma_wait3A_91 = arith.constant 0 : i32
    %dma_wait3A_92 = tpu.memref_slice %arg6[%dma_wait3A_90, %dma_wait3A_91] : memref<2x128xi32, #tpu.memory_space<vmem>> -> memref<1x128xi32, #tpu.memory_space<vmem>>
    %dma_wait3A_93 = tpu.memref_squeeze %dma_wait3A_92 : memref<1x128xi32, #tpu.memory_space<vmem>> -> memref<128xi32, #tpu.memory_space<vmem>>
    %dma_wait3A_94 = arith.constant 0 : i32
    %dma_wait3A_95 = arith.constant 0 : i32
    %dma_wait3A_96 = tpu.memref_slice %arg5[%dma_wait3A_94, %dma_wait3A_95] : memref<10240x128xf32, #tpu.memory_space<vmem_shared>> -> memref<10240x128xf32, #tpu.memory_space<vmem_shared>>
    tpu.wait_indirect_dma semaphore(%arg12 : memref<!tpu.dma_semaphore, #tpu.memory_space<semaphore_mem>>) src(%arg8 : memref<128x128xf32, #tpu.memory_space<vmem>>) dst(%dma_wait3A_96 : memref<10240x128xf32, #tpu.memory_space<vmem_shared>>)
    %dma_wait3A_97 = arith.constant 0 : i32
    %dma_wait3A_98 = arith.constant 0 : i32
    %dma_wait3A_99 = tpu.memref_slice %arg7[%dma_wait3A_97, %dma_wait3A_98] : memref<2x128xi32, #tpu.memory_space<vmem>> -> memref<1x128xi32, #tpu.memory_space<vmem>>
    %dma_wait3A_100 = tpu.memref_squeeze %dma_wait3A_99 : memref<1x128xi32, #tpu.memory_space<vmem>> -> memref<128xi32, #tpu.memory_space<vmem>>
    %dma_wait3A_101 = arith.constant 0 : i32
    %dma_wait3A_102 = arith.constant 0 : i32
    %dma_wait3A_103 = tpu.memref_slice %arg2[%dma_wait3A_101, %dma_wait3A_102] : memref<10240x128xf32, #tpu.memory_space<hbm>> -> memref<10240x128xf32, #tpu.memory_space<hbm>>
    tpu.wait_indirect_dma semaphore(%arg11 : memref<!tpu.dma_semaphore, #tpu.memory_space<semaphore_mem>>) src(%dma_wait3A_103 : memref<10240x128xf32, #tpu.memory_space<hbm>>) dst(%arg9 : memref<128x128xf32, #tpu.memory_space<vmem>>)
    %dma_start3A_104 = arith.constant 1 : i32
    %dma_start3A_105 = arith.constant 0 : i32
    %dma_start3A_106 = tpu.memref_slice %arg7[%dma_start3A_104, %dma_start3A_105] : memref<2x128xi32, #tpu.memory_space<vmem>> -> memref<1x128xi32, #tpu.memory_space<vmem>>
    %dma_start3A_107 = tpu.memref_squeeze %dma_start3A_106 : memref<1x128xi32, #tpu.memory_space<vmem>> -> memref<128xi32, #tpu.memory_space<vmem>>
    %dma_start3A_108 = arith.constant 0 : i32
    %dma_start3A_109 = arith.constant 0 : i32
    %dma_start3A_110 = tpu.memref_slice %arg5[%dma_start3A_108, %dma_start3A_109] : memref<10240x128xf32, #tpu.memory_space<vmem_shared>> -> memref<10240x128xf32, #tpu.memory_space<vmem_shared>>
    tpu.enqueue_indirect_dma source(%arg9 : memref<128x128xf32, #tpu.memory_space<vmem>>) target(%dma_start3A_110 : memref<10240x128xf32, #tpu.memory_space<vmem_shared>>) offsets(%dma_start3A_107 : memref<128xi32, #tpu.memory_space<vmem>>) semaphore(%arg13 : memref<!tpu.dma_semaphore, #tpu.memory_space<semaphore_mem>>) {add = true}
    %dma_wait3A_111 = arith.constant 1 : i32
    %dma_wait3A_112 = arith.constant 0 : i32
    %dma_wait3A_113 = tpu.memref_slice %arg7[%dma_wait3A_111, %dma_wait3A_112] : memref<2x128xi32, #tpu.memory_space<vmem>> -> memref<1x128xi32, #tpu.memory_space<vmem>>
    %dma_wait3A_114 = tpu.memref_squeeze %dma_wait3A_113 : memref<1x128xi32, #tpu.memory_space<vmem>> -> memref<128xi32, #tpu.memory_space<vmem>>
    %dma_wait3A_115 = arith.constant 0 : i32
    %dma_wait3A_116 = arith.constant 0 : i32
    %dma_wait3A_117 = tpu.memref_slice %arg5[%dma_wait3A_115, %dma_wait3A_116] : memref<10240x128xf32, #tpu.memory_space<vmem_shared>> -> memref<10240x128xf32, #tpu.memory_space<vmem_shared>>
    tpu.wait_indirect_dma semaphore(%arg13 : memref<!tpu.dma_semaphore, #tpu.memory_space<semaphore_mem>>) src(%arg9 : memref<128x128xf32, #tpu.memory_space<vmem>>) dst(%dma_wait3A_117 : memref<10240x128xf32, #tpu.memory_space<vmem_shared>>)
    %barrier3A_118 = arith.constant 0 : index
    tpu.barrier barrier_id(%barrier3A_118)
    "tpu.region"() ({
      %run_scoped3A = tpu.sem_alloc : memref<!tpu.dma_semaphore, #tpu.memory_space<semaphore_mem>>
      %dma_start3A_119 = arith.constant 0 : i32
      %dma_start3A_120 = tpu.memref_slice %arg4[%arg0, %mul3A_0, %dma_start3A_119] : memref<2x10240x128xf32, #tpu.memory_space<hbm>> -> memref<1x640x128xf32, #tpu.memory_space<hbm>>
      %dma_start3A_121 = tpu.memref_squeeze %dma_start3A_120 : memref<1x640x128xf32, #tpu.memory_space<hbm>> -> memref<640x128xf32, #tpu.memory_space<hbm>>
      %dma_start3A_122 = arith.constant 0 : i32
      %dma_start3A_123 = tpu.memref_slice %arg5[%mul3A_0, %dma_start3A_122] : memref<10240x128xf32, #tpu.memory_space<vmem_shared>> -> memref<640x128xf32, #tpu.memory_space<vmem_shared>>
      tpu.enqueue_dma source(%dma_start3A_123 : memref<640x128xf32, #tpu.memory_space<vmem_shared>>) target(%dma_start3A_121 : memref<640x128xf32, #tpu.memory_space<hbm>>) target_semaphore(%run_scoped3A : memref<!tpu.dma_semaphore, #tpu.memory_space<semaphore_mem>>)
      %dma_wait3A_124 = arith.constant 0 : i32
      %dma_wait3A_125 = tpu.memref_slice %arg4[%arg0, %mul3A_0, %dma_wait3A_124] : memref<2x10240x128xf32, #tpu.memory_space<hbm>> -> memref<1x640x128xf32, #tpu.memory_space<hbm>>
      %dma_wait3A_126 = tpu.memref_squeeze %dma_wait3A_125 : memref<1x640x128xf32, #tpu.memory_space<hbm>> -> memref<640x128xf32, #tpu.memory_space<hbm>>
      %dma_wait3A_127 = arith.constant 0 : i32
      %dma_wait3A_128 = tpu.memref_slice %arg5[%mul3A_0, %dma_wait3A_127] : memref<10240x128xf32, #tpu.memory_space<vmem_shared>> -> memref<640x128xf32, #tpu.memory_space<vmem_shared>>
      tpu.wait_dma2 semaphore(%run_scoped3A : memref<!tpu.dma_semaphore, #tpu.memory_space<semaphore_mem>>) src(%dma_wait3A_128 : memref<640x128xf32, #tpu.memory_space<vmem_shared>>) dst(%dma_wait3A_126 : memref<640x128xf32, #tpu.memory_space<hbm>>)
      tpu.yield
    }) : () -> ()
    return
  }
}

module attributes {stable_mosaic.version = 14 : i64} {
  func.func @_c1_body(%arg0: i32, %arg1: memref<2x1024x128xf32, #tpu.memory_space<vmem>>, %arg2: memref<2x1x1024x1xf32, #tpu.memory_space<vmem>>, %arg3: memref<128x128xf32, #tpu.memory_space<vmem>>, %arg4: memref<1x128xf32, #tpu.memory_space<vmem>>, %arg5: memref<1024x128xf32, #tpu.memory_space<vmem>>) attributes {dimension_semantics = [#tpu.dimension_semantics<arbitrary>], iteration_bounds = array<i64: 10>, scalar_prefetch = 0 : i64, scratch_operands = 0 : i64, tpu.core_type = #tpu.core_type<tc>, window_params = [{transform_indices = @transform_0, window_bounds = array<i64: 2, 1024, 128>}, {transform_indices = @transform_1, window_bounds = array<i64: 2, 1, 1024, 1>}, {pipeline_mode = #tpu.pipeline_mode<synchronous>, transform_indices = @transform_2, window_bounds = array<i64: 128, 128>}, {pipeline_mode = #tpu.pipeline_mode<synchronous>, transform_indices = @transform_3, window_bounds = array<i64: 1, 128>}, {transform_indices = @transform_4, window_bounds = array<i64: 1024, 128>}]} {
    %get3A = arith.constant 0 : index
    %get3A_0 = arith.constant 0 : index
    %get3A_1 = arith.constant 0 : index
    %get3A_2 = vector.load %arg1[%get3A, %get3A_0, %get3A_1] : memref<2x1024x128xf32, #tpu.memory_space<vmem>>, vector<1x1024x128xf32>
    %get3A_3 = vector.shape_cast %get3A_2 : vector<1x1024x128xf32> to vector<1024x128xf32>
    %get3A_4 = arith.constant 1 : index
    %get3A_5 = arith.constant 0 : index
    %get3A_6 = arith.constant 0 : index
    %get3A_7 = vector.load %arg1[%get3A_4, %get3A_5, %get3A_6] : memref<2x1024x128xf32, #tpu.memory_space<vmem>>, vector<1x1024x128xf32>
    %get3A_8 = vector.shape_cast %get3A_7 : vector<1x1024x128xf32> to vector<1024x128xf32>
    %add3A = arith.addf %get3A_3, %get3A_8 : vector<1024x128xf32>
    %get3A_9 = arith.constant 0 : index
    %get3A_10 = arith.constant 0 : index
    %get3A_11 = arith.constant 0 : index
    %get3A_12 = arith.constant 0 : index
    %get3A_13 = vector.load %arg2[%get3A_9, %get3A_10, %get3A_11, %get3A_12] : memref<2x1x1024x1xf32, #tpu.memory_space<vmem>>, vector<1x1x1024x1xf32>
    %get3A_14 = vector.shape_cast %get3A_13 : vector<1x1x1024x1xf32> to vector<1024x1xf32>
    %get3A_15 = arith.constant 1 : index
    %get3A_16 = arith.constant 0 : index
    %get3A_17 = arith.constant 0 : index
    %get3A_18 = arith.constant 0 : index
    %get3A_19 = vector.load %arg2[%get3A_15, %get3A_16, %get3A_17, %get3A_18] : memref<2x1x1024x1xf32, #tpu.memory_space<vmem>>, vector<1x1x1024x1xf32>
    %get3A_20 = vector.shape_cast %get3A_19 : vector<1x1x1024x1xf32> to vector<1024x1xf32>
    %add3A_21 = arith.addf %get3A_14, %get3A_20 : vector<1024x1xf32>
    %max3A = arith.constant 1.000000e+00 : f32
    %max3A_22 = vector.broadcast %max3A : f32 to vector<1024x1xf32>
    %max3A_23 = arith.maximumf %add3A_21, %max3A_22 : vector<1024x1xf32>
    %div3A = arith.constant 1.000000e+00 : f32
    %div3A_24 = vector.broadcast %div3A : f32 to vector<1024x1xf32>
    %div3A_25 = arith.divf %div3A_24, %max3A_23 : vector<1024x1xf32>
    %mul3A = vector.broadcast %div3A_25 : vector<1024x1xf32> to vector<1024x128xf32>
    %mul3A_26 = arith.mulf %add3A, %mul3A : vector<1024x128xf32>
    %get3A_27 = arith.constant 0 : index
    %get3A_28 = arith.constant 0 : index
    %get3A_29 = vector.load %arg3[%get3A_27, %get3A_28] : memref<128x128xf32, #tpu.memory_space<vmem>>, vector<128x128xf32>
    %dot_general3A = arith.constant dense<0.000000e+00> : vector<1024x128xf32>
    %dot_general3A_30 = tpu.matmul %mul3A_26, %get3A_29, %dot_general3A {dimension_numbers = #tpu.dot_dimension_numbers<[1], [0], [0], [1], [0, 0, 1, 1], [], []>, transpose_lhs_hint = false} : vector<1024x128xf32>, vector<128x128xf32>, vector<1024x128xf32> -> vector<1024x128xf32>
    %get3A_31 = arith.constant 0 : index
    %get3A_32 = arith.constant 0 : index
    %get3A_33 = vector.load %arg4[%get3A_31, %get3A_32] : memref<1x128xf32, #tpu.memory_space<vmem>>, vector<1x128xf32>
    %add3A_34 = vector.broadcast %get3A_33 : vector<1x128xf32> to vector<1024x128xf32>
    %add3A_35 = arith.addf %dot_general3A_30, %add3A_34 : vector<1024x128xf32>
    %max3A_36 = arith.constant 0.000000e+00 : f32
    %max3A_37 = vector.broadcast %max3A_36 : f32 to vector<1024x128xf32>
    %max3A_38 = arith.maximumf %add3A_35, %max3A_37 : vector<1024x128xf32>
    %swap3A = arith.constant 0 : index
    %swap3A_39 = arith.constant 0 : index
    %swap3A_40 = vector.load %arg5[%swap3A, %swap3A_39] : memref<1024x128xf32, #tpu.memory_space<vmem>>, vector<1024x128xf32>
    tpu.vector_store %arg5[%swap3A, %swap3A_39], %max3A_38 {strides = array<i32>} : memref<1024x128xf32, #tpu.memory_space<vmem>>, vector<1024x128xf32>,
    return
  }
  func.func @transform_0(%arg0: i32) -> (i32, i32, i32) {
    %c0_i32 = arith.constant 0 : i32
    %c0_i32_0 = arith.constant 0 : i32
    %c0_i32_1 = arith.constant 0 : i32
    return %c0_i32, %arg0, %c0_i32_0 : i32, i32, i32
  }
  func.func @transform_1(%arg0: i32) -> (i32, i32, i32, i32) {
    %c0_i32 = arith.constant 0 : i32
    %c0_i32_0 = arith.constant 0 : i32
    %c0_i32_1 = arith.constant 0 : i32
    %c0_i32_2 = arith.constant 0 : i32
    return %c0_i32, %arg0, %c0_i32_0, %c0_i32_1 : i32, i32, i32, i32
  }
  func.func @transform_2(%arg0: i32) -> (i32, i32) {
    %c0_i32 = arith.constant 0 : i32
    %c0_i32_0 = arith.constant 0 : i32
    %c0_i32_1 = arith.constant 0 : i32
    return %c0_i32, %c0_i32_0 : i32, i32
  }
  func.func @transform_3(%arg0: i32) -> (i32, i32) {
    %c0_i32 = arith.constant 0 : i32
    %c0_i32_0 = arith.constant 0 : i32
    %c0_i32_1 = arith.constant 0 : i32
    return %c0_i32, %c0_i32_0 : i32, i32
  }
  func.func @transform_4(%arg0: i32) -> (i32, i32) {
    %c0_i32 = arith.constant 0 : i32
    %c0_i32_0 = arith.constant 0 : i32
    return %arg0, %c0_i32 : i32, i32
  }
}

module attributes {stable_mosaic.version = 14 : i64} {
  func.func @_c2_body(%arg0: i32, %arg1: memref<2x1024x128xf32, #tpu.memory_space<vmem>>, %arg2: memref<2x1x1024x1xf32, #tpu.memory_space<vmem>>, %arg3: memref<128x128xf32, #tpu.memory_space<vmem>>, %arg4: memref<1x128xf32, #tpu.memory_space<vmem>>, %arg5: memref<128x40xf32, #tpu.memory_space<vmem>>, %arg6: memref<1x40xf32, #tpu.memory_space<vmem>>, %arg7: memref<1x1x1024xi32, #tpu.memory_space<vmem>>, %arg8: memref<64x40xf32, #tpu.memory_space<vmem>>, %arg9: memref<64x128xf32, #tpu.memory_space<vmem>>, %arg10: memref<64x128xf32, #tpu.memory_space<vmem>>) attributes {dimension_semantics = [#tpu.dimension_semantics<arbitrary>], iteration_bounds = array<i64: 10>, scalar_prefetch = 0 : i64, scratch_operands = 2 : i64, tpu.core_type = #tpu.core_type<tc>, window_params = [{transform_indices = @transform_0, window_bounds = array<i64: 2, 1024, 128>}, {transform_indices = @transform_1, window_bounds = array<i64: 2, 1, 1024, 1>}, {pipeline_mode = #tpu.pipeline_mode<synchronous>, transform_indices = @transform_2, window_bounds = array<i64: 128, 128>}, {pipeline_mode = #tpu.pipeline_mode<synchronous>, transform_indices = @transform_3, window_bounds = array<i64: 1, 128>}, {pipeline_mode = #tpu.pipeline_mode<synchronous>, transform_indices = @transform_4, window_bounds = array<i64: 128, 40>}, {pipeline_mode = #tpu.pipeline_mode<synchronous>, transform_indices = @transform_5, window_bounds = array<i64: 1, 40>}, {transform_indices = @transform_6, window_bounds = array<i64: 1, 1, 1024>}, {pipeline_mode = #tpu.pipeline_mode<synchronous>, transform_indices = @transform_7, window_bounds = array<i64: 64, 40>}]} {
    %eq3A = arith.constant 0 : i32
    %eq3A_0 = arith.cmpi eq, %arg0, %eq3A : i32
    %convert_element_type3A = arith.extui %eq3A_0 : i1 to i32
    %cond3A = arith.constant 0 : i32
    %cond3A_1 = arith.cmpi ne, %convert_element_type3A, %cond3A : i32
    scf.if %cond3A_1 {
      %broadcast_in_dim3A_74 = arith.constant 0.000000e+00 : f32
      %broadcast_in_dim3A_75 = vector.broadcast %broadcast_in_dim3A_74 : f32 to vector<64x128xf32>
      %swap3A_76 = arith.constant 0 : index
      %swap3A_77 = arith.constant 0 : index
      %swap3A_78 = vector.load %arg9[%swap3A_76, %swap3A_77] : memref<64x128xf32, #tpu.memory_space<vmem>>, vector<64x128xf32>
      tpu.vector_store %arg9[%swap3A_76, %swap3A_77], %broadcast_in_dim3A_75 {strides = array<i32>} : memref<64x128xf32, #tpu.memory_space<vmem>>, vector<64x128xf32>,
      %broadcast_in_dim3A_79 = arith.constant 0.000000e+00 : f32
      %broadcast_in_dim3A_80 = vector.broadcast %broadcast_in_dim3A_79 : f32 to vector<64x128xf32>
      %swap3A_81 = arith.constant 0 : index
      %swap3A_82 = arith.constant 0 : index
      %swap3A_83 = vector.load %arg10[%swap3A_81, %swap3A_82] : memref<64x128xf32, #tpu.memory_space<vmem>>, vector<64x128xf32>
      tpu.vector_store %arg10[%swap3A_81, %swap3A_82], %broadcast_in_dim3A_80 {strides = array<i32>} : memref<64x128xf32, #tpu.memory_space<vmem>>, vector<64x128xf32>,
    } else {
    }
    %get3A = arith.constant 0 : index
    %get3A_2 = arith.constant 0 : index
    %get3A_3 = arith.constant 0 : index
    %get3A_4 = vector.load %arg1[%get3A, %get3A_2, %get3A_3] : memref<2x1024x128xf32, #tpu.memory_space<vmem>>, vector<1x1024x128xf32>
    %get3A_5 = vector.shape_cast %get3A_4 : vector<1x1024x128xf32> to vector<1024x128xf32>
    %get3A_6 = arith.constant 1 : index
    %get3A_7 = arith.constant 0 : index
    %get3A_8 = arith.constant 0 : index
    %get3A_9 = vector.load %arg1[%get3A_6, %get3A_7, %get3A_8] : memref<2x1024x128xf32, #tpu.memory_space<vmem>>, vector<1x1024x128xf32>
    %get3A_10 = vector.shape_cast %get3A_9 : vector<1x1024x128xf32> to vector<1024x128xf32>
    %add3A = arith.addf %get3A_5, %get3A_10 : vector<1024x128xf32>
    %get3A_11 = arith.constant 0 : index
    %get3A_12 = arith.constant 0 : index
    %get3A_13 = arith.constant 0 : index
    %get3A_14 = arith.constant 0 : index
    %get3A_15 = vector.load %arg2[%get3A_11, %get3A_12, %get3A_13, %get3A_14] : memref<2x1x1024x1xf32, #tpu.memory_space<vmem>>, vector<1x1x1024x1xf32>
    %get3A_16 = vector.shape_cast %get3A_15 : vector<1x1x1024x1xf32> to vector<1024x1xf32>
    %get3A_17 = arith.constant 1 : index
    %get3A_18 = arith.constant 0 : index
    %get3A_19 = arith.constant 0 : index
    %get3A_20 = arith.constant 0 : index
    %get3A_21 = vector.load %arg2[%get3A_17, %get3A_18, %get3A_19, %get3A_20] : memref<2x1x1024x1xf32, #tpu.memory_space<vmem>>, vector<1x1x1024x1xf32>
    %get3A_22 = vector.shape_cast %get3A_21 : vector<1x1x1024x1xf32> to vector<1024x1xf32>
    %add3A_23 = arith.addf %get3A_16, %get3A_22 : vector<1024x1xf32>
    %max3A = arith.constant 1.000000e+00 : f32
    %max3A_24 = vector.broadcast %max3A : f32 to vector<1024x1xf32>
    %max3A_25 = arith.maximumf %add3A_23, %max3A_24 : vector<1024x1xf32>
    %div3A = arith.constant 1.000000e+00 : f32
    %div3A_26 = vector.broadcast %div3A : f32 to vector<1024x1xf32>
    %div3A_27 = arith.divf %div3A_26, %max3A_25 : vector<1024x1xf32>
    %mul3A = vector.broadcast %div3A_27 : vector<1024x1xf32> to vector<1024x128xf32>
    %mul3A_28 = arith.mulf %add3A, %mul3A : vector<1024x128xf32>
    %get3A_29 = arith.constant 0 : index
    %get3A_30 = arith.constant 0 : index
    %get3A_31 = vector.load %arg3[%get3A_29, %get3A_30] : memref<128x128xf32, #tpu.memory_space<vmem>>, vector<128x128xf32>
    %dot_general3A = arith.constant dense<0.000000e+00> : vector<1024x128xf32>
    %dot_general3A_32 = tpu.matmul %mul3A_28, %get3A_31, %dot_general3A {dimension_numbers = #tpu.dot_dimension_numbers<[1], [0], [0], [1], [0, 0, 1, 1], [], []>, transpose_lhs_hint = false} : vector<1024x128xf32>, vector<128x128xf32>, vector<1024x128xf32> -> vector<1024x128xf32>
    %get3A_33 = arith.constant 0 : index
    %get3A_34 = arith.constant 0 : index
    %get3A_35 = vector.load %arg4[%get3A_33, %get3A_34] : memref<1x128xf32, #tpu.memory_space<vmem>>, vector<1x128xf32>
    %add3A_36 = vector.broadcast %get3A_35 : vector<1x128xf32> to vector<1024x128xf32>
    %add3A_37 = arith.addf %dot_general3A_32, %add3A_36 : vector<1024x128xf32>
    %max3A_38 = arith.constant 0.000000e+00 : f32
    %max3A_39 = vector.broadcast %max3A_38 : f32 to vector<1024x128xf32>
    %max3A_40 = arith.maximumf %add3A_37, %max3A_39 : vector<1024x128xf32>
    %get3A_41 = arith.constant 0 : index
    %get3A_42 = arith.constant 0 : index
    %get3A_43 = arith.constant 0 : index
    %get3A_44 = vector.load %arg7[%get3A_41, %get3A_42, %get3A_43] : memref<1x1x1024xi32, #tpu.memory_space<vmem>>, vector<1x1x1024xi32>
    %get3A_45 = vector.shape_cast %get3A_44 : vector<1x1x1024xi32> to vector<1x1024xi32>
    %iota3A = tpu.iota {dimensions = array<i32: 0>} : vector<64x1024xi32>
    %eq3A_46 = vector.broadcast %get3A_45 : vector<1x1024xi32> to vector<64x1024xi32>
    %eq3A_47 = arith.cmpi eq, %iota3A, %eq3A_46 : vector<64x1024xi32>
    %jit3A = arith.constant 1.000000e+00 : f32
    %jit3A_48 = arith.constant 0.000000e+00 : f32
    %broadcast_in_dim3A = vector.broadcast %jit3A : f32 to vector<64x1024xf32>
    %broadcast_in_dim3A_49 = vector.broadcast %jit3A_48 : f32 to vector<64x1024xf32>
    %select_n3A = arith.select %eq3A_47, %broadcast_in_dim3A, %broadcast_in_dim3A_49 : vector<64x1024xi1>, vector<64x1024xf32>
    %get3A_50 = arith.constant 0 : index
    %get3A_51 = arith.constant 0 : index
    %get3A_52 = vector.load %arg9[%get3A_50, %get3A_51] : memref<64x128xf32, #tpu.memory_space<vmem>>, vector<64x128xf32>
    %dot_general3A_53 = arith.constant dense<0.000000e+00> : vector<64x128xf32>
    %dot_general3A_54 = tpu.matmul %select_n3A, %max3A_40, %dot_general3A_53 {dimension_numbers = #tpu.dot_dimension_numbers<[1], [0], [0], [1], [0, 0, 1, 1], [], []>, transpose_lhs_hint = false} : vector<64x1024xf32>, vector<1024x128xf32>, vector<64x128xf32> -> vector<64x128xf32>
    %add3A_55 = arith.addf %get3A_52, %dot_general3A_54 : vector<64x128xf32>
    %swap3A = arith.constant 0 : index
    %swap3A_56 = arith.constant 0 : index
    %swap3A_57 = vector.load %arg9[%swap3A, %swap3A_56] : memref<64x128xf32, #tpu.memory_space<vmem>>, vector<64x128xf32>
    tpu.vector_store %arg9[%swap3A, %swap3A_56], %add3A_55 {strides = array<i32>} : memref<64x128xf32, #tpu.memory_space<vmem>>, vector<64x128xf32>,
    %get3A_58 = arith.constant 0 : index
    %get3A_59 = arith.constant 0 : index
    %get3A_60 = vector.load %arg10[%get3A_58, %get3A_59] : memref<64x128xf32, #tpu.memory_space<vmem>>, vector<64x128xf32>
    %reduce_sum3A = arith.constant dense<0.000000e+00> : vector<64xf32>
    %reduce_sum3A_61 = vector.multi_reduction <add>, %select_n3A, %reduce_sum3A [1] : vector<64x1024xf32> to vector<64xf32>
    %broadcast_in_dim3A_62 = vector.shape_cast %reduce_sum3A_61 : vector<64xf32> to vector<64x1xf32>
    %broadcast_in_dim3A_63 = vector.shape_cast %broadcast_in_dim3A_62 : vector<64x1xf32> to vector<64x1xf32>
    %broadcast_in_dim3A_64 = vector.broadcast %broadcast_in_dim3A_63 : vector<64x1xf32> to vector<64x128xf32>
    %add3A_65 = arith.addf %get3A_60, %broadcast_in_dim3A_64 : vector<64x128xf32>
    %swap3A_66 = arith.constant 0 : index
    %swap3A_67 = arith.constant 0 : index
    %swap3A_68 = vector.load %arg10[%swap3A_66, %swap3A_67] : memref<64x128xf32, #tpu.memory_space<vmem>>, vector<64x128xf32>
    tpu.vector_store %arg10[%swap3A_66, %swap3A_67], %add3A_65 {strides = array<i32>} : memref<64x128xf32, #tpu.memory_space<vmem>>, vector<64x128xf32>,
    %eq3A_69 = arith.constant 9 : i32
    %eq3A_70 = arith.cmpi eq, %arg0, %eq3A_69 : i32
    %convert_element_type3A_71 = arith.extui %eq3A_70 : i1 to i32
    %cond3A_72 = arith.constant 0 : i32
    %cond3A_73 = arith.cmpi ne, %convert_element_type3A_71, %cond3A_72 : i32
    scf.if %cond3A_73 {
      %get3A_74 = arith.constant 0 : index
      %get3A_75 = arith.constant 0 : index
      %get3A_76 = vector.load %arg10[%get3A_74, %get3A_75] : memref<64x128xf32, #tpu.memory_space<vmem>>, vector<64x40xf32>
      %get3A_77 = arith.constant 0 : index
      %get3A_78 = arith.constant 0 : index
      %get3A_79 = vector.load %arg9[%get3A_77, %get3A_78] : memref<64x128xf32, #tpu.memory_space<vmem>>, vector<64x128xf32>
      %get3A_80 = arith.constant 0 : index
      %get3A_81 = arith.constant 0 : index
      %get3A_82 = vector.load %arg5[%get3A_80, %get3A_81] : memref<128x40xf32, #tpu.memory_space<vmem>>, vector<128x40xf32>
      %dot_general3A_83 = arith.constant dense<0.000000e+00> : vector<64x40xf32>
      %dot_general3A_84 = tpu.matmul %get3A_79, %get3A_82, %dot_general3A_83 {dimension_numbers = #tpu.dot_dimension_numbers<[1], [0], [0], [1], [0, 0, 1, 1], [], []>, transpose_lhs_hint = false} : vector<64x128xf32>, vector<128x40xf32>, vector<64x40xf32> -> vector<64x40xf32>
      %get3A_85 = arith.constant 0 : index
      %get3A_86 = arith.constant 0 : index
      %get3A_87 = vector.load %arg6[%get3A_85, %get3A_86] : memref<1x40xf32, #tpu.memory_space<vmem>>, vector<1x40xf32>
      %mul3A_88 = vector.broadcast %get3A_87 : vector<1x40xf32> to vector<64x40xf32>
      %mul3A_89 = arith.mulf %get3A_76, %mul3A_88 : vector<64x40xf32>
      %add3A_90 = arith.addf %dot_general3A_84, %mul3A_89 : vector<64x40xf32>
      %max3A_91 = arith.constant 1.000000e+00 : f32
      %max3A_92 = vector.broadcast %max3A_91 : f32 to vector<64x40xf32>
      %max3A_93 = arith.maximumf %get3A_76, %max3A_92 : vector<64x40xf32>
      %div3A_94 = arith.divf %add3A_90, %max3A_93 : vector<64x40xf32>
      %swap3A_95 = arith.constant 0 : index
      %swap3A_96 = arith.constant 0 : index
      %swap3A_97 = vector.load %arg8[%swap3A_95, %swap3A_96] : memref<64x40xf32, #tpu.memory_space<vmem>>, vector<64x40xf32>
      tpu.vector_store %arg8[%swap3A_95, %swap3A_96], %div3A_94 {strides = array<i32>} : memref<64x40xf32, #tpu.memory_space<vmem>>, vector<64x40xf32>,
    } else {
    }
    return
  }
  func.func @transform_0(%arg0: i32) -> (i32, i32, i32) {
    %c0_i32 = arith.constant 0 : i32
    %c0_i32_0 = arith.constant 0 : i32
    %c0_i32_1 = arith.constant 0 : i32
    return %c0_i32, %arg0, %c0_i32_0 : i32, i32, i32
  }
  func.func @transform_1(%arg0: i32) -> (i32, i32, i32, i32) {
    %c0_i32 = arith.constant 0 : i32
    %c0_i32_0 = arith.constant 0 : i32
    %c0_i32_1 = arith.constant 0 : i32
    %c0_i32_2 = arith.constant 0 : i32
    return %c0_i32, %arg0, %c0_i32_0, %c0_i32_1 : i32, i32, i32, i32
  }
  func.func @transform_2(%arg0: i32) -> (i32, i32) {
    %c0_i32 = arith.constant 0 : i32
    %c0_i32_0 = arith.constant 0 : i32
    %c0_i32_1 = arith.constant 0 : i32
    return %c0_i32, %c0_i32_0 : i32, i32
  }
  func.func @transform_3(%arg0: i32) -> (i32, i32) {
    %c0_i32 = arith.constant 0 : i32
    %c0_i32_0 = arith.constant 0 : i32
    %c0_i32_1 = arith.constant 0 : i32
    return %c0_i32, %c0_i32_0 : i32, i32
  }
  func.func @transform_4(%arg0: i32) -> (i32, i32) {
    %c0_i32 = arith.constant 0 : i32
    %c0_i32_0 = arith.constant 0 : i32
    %c0_i32_1 = arith.constant 0 : i32
    return %c0_i32, %c0_i32_0 : i32, i32
  }
  func.func @transform_5(%arg0: i32) -> (i32, i32) {
    %c0_i32 = arith.constant 0 : i32
    %c0_i32_0 = arith.constant 0 : i32
    %c0_i32_1 = arith.constant 0 : i32
    return %c0_i32, %c0_i32_0 : i32, i32
  }
  func.func @transform_6(%arg0: i32) -> (i32, i32, i32) {
    %c0_i32 = arith.constant 0 : i32
    %c0_i32_0 = arith.constant 0 : i32
    %c0_i32_1 = arith.constant 0 : i32
    return %arg0, %c0_i32, %c0_i32_0 : i32, i32, i32
  }
  func.func @transform_7(%arg0: i32) -> (i32, i32) {
    %c0_i32 = arith.constant 0 : i32
    %c0_i32_0 = arith.constant 0 : i32
    %c0_i32_1 = arith.constant 0 : i32
    return %c0_i32, %c0_i32_0 : i32, i32
  }
}

</mosaic_0001>

<sc_bundles>
// kernel: kernel.6.cloned.1.call-start
scs
__scs_entry_jumppad:
0x0: {  	(pc) =	sbr.rel $0x88, $3  }
0x1: {  	(tag) =	ssettag $0x0;
	lr =	simm.s32 $0x1  }
0x2: {  	[smem:$0x3F98] =	sst lr;
	_ =	strace $0xD0000000  }
0x3: {  	_ = 	snop  }
0x4: {  	_ = 	snop  }
0x5: {  	_ = 	snop  }
0x6: {  	_ = 	snop  }
0x7: {  	_ = 	snop  }
__scs_overlays_trampoline_lowered:
0x8: {  	[smem:$0x3FA7] =	sst s0  }
0x9: {  	[smem:$0x3FA8] =	sst s1  }
0xa: {  	[smem:$0x3FA9] =	sst s2  }
0xb: {  	[smem:$0x3FAA] =	sst s3  }
0xc: {  	[smem:$0x3FAB] =	sst s4  }
0xd: {  	[smem:$0x3FAC] =	sst s5  }
0xe: {  	[smem:$0x3FAD] =	sst s6  }
0xf: {  	[smem:$0x3FAE] =	sst s7  }
0x10: {  	[smem:$0x3FAF] =	sst s8  }
0x11: {  	[smem:$0x3FB0] =	sst s9;
	s0 =	simm.s32 @!p0 $0x0  }
0x12: {  	s1 =	sld [smem:$0x3F96];
	s0 =	simm.s32 @p0 $0x1  }
0x13: {  	[smem:$0x3FB1] =	sst s0;
	s0 =	simm.s32 @!p1 $0x0  }
0x14: {  	s2 =	sld [smem:$0x3F95];
	s0 =	simm.s32 @p1 $0x1  }
0x15: {  	[smem:$0x3FB2] =	sst s0;
	s0 =	simm.s32 @!p2 $0x0  }
0x16: {  	s3 =	sld [smem:$0x3FDB];
	s0 =	simm.s32 @p2 $0x1  }
0x17: {  	s4 =	simm.s32 $0x1BF5;
	[smem:$0x3FB4] =	sst s0  }
0x18: {  	s0 =	sld [smem:$0x3F97];
	_ =	swait.ge [sflag:s4], $0x0  }
0x19: {  	s7 =	sld [smem:$0x3F98]  }
0x1a: {  	s8 =	sadd.s32 $0xFFFFE003, lr  }
0x1b: {  	s9 =	sadd.s32 $0xFFFFFEF7, lr;
	s5 =	simm.s32 $0xFFFFFFFF;
	p2 =	slt.u32 s8, $0xFFFFF086  }
0x1c: {  	p1 =	slt.u32 s9, $0xF7A;
	s5 =	simm.s32 @!p2 $0x0  }
0x1d: {  	s5 =	simm.s32 @p1 $0x1;
	p0 =	seq.s32 s7, s2  }
0x1e: {  	s7 =	smul.u32 @!p0 $0xF7A, s2;
	p2 =	seq.s32 @!p0 s5, $0x0  }
0x1f: {  	s9 =	smul.u32 $0xF7A, s1;
	s8 =	simm.s32 @!p0 $0x1BF5;
	p2 =	por !p2, p0  }
0x20: {  	[sflag:s8] =	ssyncset.s32 @!p0 $0xFFFFF086;
	s6 =	sadd.s32 @!p0 s3, s7;
	s7 =	simm.s32 @!p0 $0x108  }
0x21: {  	s3 =	sadd.s32 s3, s9;
	s6 =	sadd.s32 @!p0 $0x88, s6;
	s7 =	simm.s32 @p2 $0x1082  }
0x22: {  	[simem:s7], [sflag:s8] =	dma.local @!p0 [hbm:s6], $0xF7A  }
0x23: {  	s9 =	sor.u32 $0xD0000000, s2;
	s6 =	simm.s32 $0x108;
	_ =	swait.ge @!p0 [sflag:s8], $0x0  }
0x24: {  	s3 =	sadd.s32 $0x88, s3;
	s6 =	simm.s32 @!p1 $0x1082;
	[sflag:s4] =	ssyncset.s32 $0xFFFFF086  }
0x25: {  	[simem:s6], [sflag:s4] =	dma.local [hbm:s3], $0xF7A  }
0x26: {  	[smem:$0x3F98] =	sst s1;
	(tag) =	ssettag s2;
	_ =	strace s9  }
0x27: {  	s1 =	sld [smem:$0x3FA8]  }
0x28: {  	s2 =	sld [smem:$0x3FA9]  }
0x29: {  	s4 =	sld [smem:$0x3FAB]  }
0x2a: {  	p0 =	seq.s32 s5, $0x0;
	s5 =	sld [smem:$0x3FAC]  }
0x2b: {  	s6 =	sld [smem:$0x3FAD]  }
0x2c: {  	s7 =	sld [smem:$0x3FAE]  }
0x2d: {  	s3 =	simm.s32 $0x108;
	s8 =	sld [smem:$0x3FAF]  }
0x2e: {  	s3 =	simm.s32 @!p0 $0x1082;
	s9 =	sld [smem:$0x3FB0]  }
0x2f: {  	lr =	sadd.s32 s0, s3;
	s0 =	sld [smem:$0x3FA7]  }
0x30: {  	s3 =	sld [smem:$0x3FAA]  }
0x31: {  	[smem:$0x3FB3] =	sst s10  }
0x32: {  	s10 =	sld [smem:$0x3FB1];
	_ =	sdelay $0x3  }
0x33: {  	p0 =	seq.s32 s10, $0x1;
	s10 =	sld [smem:$0x3FB3];
	_ =	sdelay $0x3  }
0x34: {  	[smem:$0x3FB3] =	sst s10  }
0x35: {  	s10 =	sld [smem:$0x3FB2];
	_ =	sdelay $0x3  }
0x36: {  	p1 =	seq.s32 s10, $0x1;
	s10 =	sld [smem:$0x3FB3];
	_ =	sdelay $0x3  }
0x37: {  	[smem:$0x3FB3] =	sst s10  }
0x38: {  	s10 =	sld [smem:$0x3FB4]  }
0x39: {  	_ = 	snop;
	(pc) =	sbr.ind lr, $3  }
0x3a: {  	_ = 	snop  }
0x3b: {  	_ = 	snop  }
0x3c: {  	p2 =	seq.s32 s10, $0x1;
	s10 =	sld [smem:$0x3FB3]  }
0x3d: {  	_ =	shalt  }
0x3e: {  	_ =	shalt  }
0x3f: {  	_ =	shalt  }
0x40: {  	_ =	shalt  }
0x41: {  	_ =	shalt  }
0x42: {  	_ =	shalt  }
0x43: {  	_ =	shalt  }
0x44: {  	_ =	shalt  }
0x45: {  	_ =	shalt  }
0x46: {  	_ =	shalt  }
0x47: {  	_ =	shalt  }
0x48: {  	_ =	shalt  }
0x49: {  	_ =	shalt  }
0x4a: {  	_ =	shalt  }
0x4b: {  	_ =	shalt  }
0x4c: {  	_ =	shalt  }
0x4d: {  	_ =	shalt  }
0x4e: {  	_ =	shalt  }
0x4f: {  	_ =	shalt  }
0x50: {  	_ =	shalt  }
0x51: {  	_ =	shalt  }
0x52: {  	_ =	shalt  }
0x53: {  	_ =	shalt  }
0x54: {  	_ =	shalt  }
0x55: {  	_ =	shalt  }
0x56: {  	_ =	shalt  }
0x57: {  	_ =	shalt  }
0x58: {  	_ =	shalt  }
0x59: {  	_ =	shalt  }
0x5a: {  	_ =	shalt  }
0x5b: {  	_ =	shalt  }
0x5c: {  	_ =	shalt  }
0x5d: {  	_ =	shalt  }
0x5e: {  	_ =	shalt  }
0x5f: {  	_ =	shalt  }
0x60: {  	_ =	shalt  }
0x61: {  	_ =	shalt  }
0x62: {  	_ =	shalt  }
0x63: {  	_ =	shalt  }
0x64: {  	_ =	shalt  }
0x65: {  	_ =	shalt  }
0x66: {  	_ =	shalt  }
0x67: {  	_ =	shalt  }
0x68: {  	_ =	shalt  }
0x69: {  	_ =	shalt  }
0x6a: {  	_ =	shalt  }
0x6b: {  	_ =	shalt  }
0x6c: {  	_ =	shalt  }
0x6d: {  	_ =	shalt  }
0x6e: {  	_ =	shalt  }
0x6f: {  	_ =	shalt  }
0x70: {  	_ =	shalt  }
0x71: {  	_ =	shalt  }
0x72: {  	_ =	shalt  }
0x73: {  	_ =	shalt  }
0x74: {  	_ =	shalt  }
0x75: {  	_ =	shalt  }
0x76: {  	_ =	shalt  }
0x77: {  	_ =	shalt  }
0x78: {  	_ =	shalt  }
0x79: {  	_ =	shalt  }
0x7a: {  	_ =	shalt  }
0x7b: {  	_ =	shalt  }
0x7c: {  	_ =	shalt  }
0x7d: {  	_ =	shalt  }
0x7e: {  	_ =	shalt  }
0x7f: {  	_ =	shalt  }
0x80: {  	_ =	shalt  }
0x81: {  	_ =	shalt  }
0x82: {  	_ =	shalt  }
0x83: {  	_ =	shalt  }
0x84: {  	_ =	shalt  }
0x85: {  	_ =	shalt  }
0x86: {  	_ =	shalt  }
0x87: {  	_ =	shalt  }
.Lfunc_end0:
.L_simem_size_0:
called_computation_lowered:
.L_overlay_start_0:
0x88: {  	s2 =	sld [smem:$0x3FD9]  }
0x89: {  	s3 =	sld [smem:$0x3FFE];
	_ =	sdelay $0x1  }
0x8a: {  	s1 =	srdreg.scid  }
0x8b: {  	s0 =	sand.u32 $0x1, s1  }
0x8c: {  	s17 =	sshll.u32 s0, $0xA;
	s2 =	sadd.s32 s3, s2  }
0x8d: {  	s2 =	sadd.s32 s2, s17  }
0x8e: {  	[smem:$0x3FBF] =	sst s2  }
0x8f: {  	_ = 	snop  }
0x90: {  	s2 =	sld [smem:$0x3FC9];
	(tm) =	ssettm $0x1  }
0x91: {  	s18 =	sld [smem:$0x3FFB];
	_ =	sdelay $0x3  }
0x92: {  	_ =	strace s18  }
0x93: {  	s3 =	sld [smem:$0x3FFC];
	_ =	sdelay $0x3  }
0x94: {  	_ =	strace s3  }
0x95: {  	s3 =	sld [smem:$0x3FFD];
	_ =	sdelay $0x3  }
0x96: {  	_ =	strace s3  }
0x97: {  	_ =	strace $0x8FFFFFFF  }
0x98: {  	s19 =	sld [smem:$0x3FDB];
	_ =	sdelay $0x1  }
0x99: {  	s4 =	simm.s32 $_scs_section_size  }
0x9a: {  	s5 =	simm.s32 $_size__tile_overlayer_lowered;
	s6 =	simm.s32 $_tile_overlayer_lowered  }
0x9b: {  	s22 =	simm.s32 $0x1BFF;
	s21 =	sshll.u32 s6, $0x1;
	s3 =	sadd.s32 s4, s19  }
0x9c: {  	s7 =	simm.s32 $0x0;
	s20 =	sshll.u32 s5, $0x1;
	s5 =	sadd.s32 s21, s3  }
0x9d: {  	[timem:s7], [sflag:s22] =	dma.local [hbm:s5], s20  }
0x9e: {  	_ =	swait.ge [sflag:s22], s20  }
0x9f: {  	s4 =	ssub.s32 $0x0, s20;
	[sflag:s22] =	ssyncset.done $0x0  }
0xa0: {  	[sflag:s22] =	ssyncadd.s32 s4;
	_ =	sdelay $0x1  }
0xa1: {  	s23 =	simm.s32 $0x1B8B  }
0xa2: {  	_ =	swait.ge [sflag:s23], $0x1  }
0xa3: {  	[sflag:s23] =	ssyncset.done $0x0  }
0xa4: {  	s25 =	simm.s32 $0x1B8E;
	s24 =	sld [smem:$0x3FFE];
	[sflag:s23] =	ssyncadd.s32 $0xFFFFFFFF  }
0xa5: {  	s26 =	simm.s32 $execute0_lowered;
	[smem:$0x3FD2] =	sst s25  }
0xa6: {  	s5 =	sshll.u32 s26, $0x1;
	_ =	strace $0x80000046;
	[dreg:$0x1] =	wrdreg $0xFFFFFFFF  }
0xa7: {  	s28 =	simm.s32 $_size_execute0_lowered;
	s3 =	sadd.s32 s3, s5;
	[dreg:$0x0] =	wrdreg $0x0  }
0xa8: {  	s5 =	sshll.u32 s28, $0x1;
	[dreg:$0x2] =	wrdreg s3  }
0xa9: {  	[dreg:$0x3] =	wrdreg s5  }
0xaa: {  	[dreg:$0x4] =	wrdreg $0xC0  }
0xab: {  	_ =	task [dreg:s7], $0x5FFFF  }
0xac: {  	[dreg:$0x1] =	wrdreg $0xFFFFFFFF  }
0xad: {  	[dreg:$0x0] =	wrdreg $0x60  }
0xae: {  	[dreg:$0x2] =	wrdreg s2  }
0xaf: {  	[dreg:$0x3] =	wrdreg s24  }
0xb0: {  	[dreg:$0x4] =	wrdreg $0x0  }
0xb1: {  	[dreg:$0x5] =	wrdreg $0x140000  }
0xb2: {  	[dreg:$0x6] =	wrdreg $0x9  }
0xb3: {  	_ =	task.clear_ibuf [dreg:s7], $0x7FFFF;
	_ =	strace $0x90000046  }
0xb4: {  	s29 =	simm.s32 $0x9;
	_ =	strace $0x80000048  }
0xb5: {  	_ =	swait.ge [sflag:s29], $0x1  }
0xb6: {  	[sflag:s29] =	ssyncadd.s32 $0xFFFFFFFF  }
0xb7: {  	_ =	strace $0x90000048  }
0xb8: {  	_ =	sfence  }
0xb9: {  	s30 =	sld [smem:$0x0];
	_ =	sdelay $0x2  }
0xba: {  	s31 =	sshll.u32 s1, $0xD;
	s1 =	sshrl.u32 s1, $0x2  }
0xbb: {  	s3 =	sand.u32 $0x4000, s31;
	s1 =	sadd.s32 s1, s30  }
0xbc: {  	s0 =	sor.u32 s3, s0;
	s1 =	sshll.u32 s1, $0x11  }
0xbd: {  	s0 =	sor.u32 s1, s0  }
0xbe: {  	s0 =	sadd.s32 $0x8F2B, s0  }
0xbf: {  	[sflag:s0] =	ssyncadd.remote.s32 $0x1  }
0xc0: {  	_ =	sfence.sel $0xFFFF  }
0xc1: {  	[dreg:$0x0] =	wrdreg $0xFFFFFFFF;
	(pc) =	sbr.abs _section_cstart, $3  }
0xc2: {  	[dreg:$0x1] =	wrdreg $0xFFFFFFFF  }
0xc3: {  	_ =	task.clear_ibuf [dreg:s7], $0x2FFFF;
	_ =	strace $0x9FFFFFFF  }
0xc4: {  	(tm) =	ssettm $0x7FFFFFFF  }
0xc5: {  	_ =	shalt  }
tec
execute0_lowered:
.L_overlay_start_1:
0x0: {  	(tag) =	ssettag $0x1  }
0x1: {  	s0 =	rddreg [dreg:$0x0]  }
0x2: {  	s1 =	rddreg [dreg:$0x1];
	s13 =	stileid.u32  }
0x3: {  	s2 =	srdreg.scid;
	s7 =	smul.u32 $0x14000, s13  }
0x4: {  	s3 =	rddreg [dreg:$0x2];
	s8 =	smul.u32 $0x280, s13  }
0x5: {  	s4 =	rddreg [dreg:$0x3];
	s5 =	simm.s32 $0x0;
	s17 =	smul.u32 $0xC, s13  }
0x6: {  	s15 =	simm.s32 $0x9200;
	s28 =	simm.s32 $0x1C480;
	s12 =	smul.u32 $0x50000, s13  }
0x7: {  	s29 =	simm.s32 $0x3;
	s2 =	sand.u32 $0x1, s2;
	s13 =	smul.u32 $0x94, s13  }
0x8: {  	s30 =	simm.s32 $0x5;
	s31 =	simm.s32 $0x2;
	s6 =	smul.u32 $0x140000, s2  }
0x9: {  	[smem:$0x7FF] =	sst s5;
	s9 =	smul.u32 $0x2800, s2;
	s11 =	ssub.s32 $0x2, s2  }
0xa: {  	_ =	strace $0x80000047;
	p0 =	seq.s32 s2, $0x0;
	s18 =	sshrl.u32 s11, $0x1  }
0xb: {  	s2 =	sadd.s32 $0x940, s17;
	s19 =	sshrl.u32 s12, $0x2;
	s12 =	sadd.s32 s8, s4  }
0xc: {  	s15 =	simm.s32 @!p0 $0xA00;
	s7 =	sadd.s32 s7, s6;
	s6 =	sadd.s32 $0x2400, s1  }
0xd: {  	s16 =	sadd.s32 s8, s9;
	s17 =	ssub.s32 s11, s18;
	s2 =	smov.u32 @p0 s13  }
0xe: {  	[dreg:$0x5] =	wrdreg s15;
	s18 =	simm.s32 $0x14480;
	s8 =	simm.s32 $0x0  }
0xf: {  	s7 =	sshrl.u32 s7, $0x3;
	s23 =	sshll.u32 s2, $0x5;
	s17 =	smax.u32 s17, $0x1  }
0x10: {  	s26 =	sshll.u32 s2, $0x8;
	s2 =	simm.s32 $0x14400;
	s10 =	sadd.s32 s7, s1  }
0x11: {  	s7 =	sshrl.u32 s16, $0x3;
	s13 =	sadd.s32 s6, s23;
	[dreg:$0x6] =	wrdreg s26  }
0x12: {  	s23 =	simm.s32 $0x14380;
	s1 =	sadd.s32 s7, s1;
	s24 =	sadd.s32 $0x20, s13  }
0x13: {  	s7 =	sadd.s32 s19, s3;
	s25 =	sadd.s32 $0x16E00, s10;
	[dreg:$0xb] =	wrdreg s24  }
0x14: {  	s26 =	simm.s32 $0x14300;
	s9 =	sadd.s32 $0x4000, s7;
	[dreg:$0xc] =	wrdreg s25  }
0x15: {  	s19 =	simm.s32 $0x7;
	s20 =	sadd.s32 $0x8000, s7;
	[dreg:$0x7] =	wrdreg s9  }
0x16: {  	s21 =	sadd.s32 $0xC000, s7;
	s22 =	sadd.s32 $0x10000, s7;
	[dreg:$0x8] =	wrdreg s20  }
0x17: {  	s16 =	sadd.s32 $0x16400, s1;
	s24 =	simm.s32 $0x18480;
	[dreg:$0x9] =	wrdreg s21  }
0x18: {  	s25 =	simm.s32 $0x1;
	s1 =	simm.s32 $0x6;
	[dreg:$0xa] =	wrdreg s22  }
0x19: {  	v0 =	vimm.f32 $0.0e+00;
	v1 =	vimm.f32 $1.000000000e+00;
	s21 =	simm.s32 $0x14280;
	s22 =	simm.s32 $0x80;
	s20 =	simm.s32 $0x4  }
.LBB2_1:
0x1a: {  	s9 =	simm.s32 $0x0;
	s10 =	simm.s32 $0x200  }
.LBB2_2:
0x1b: {  	p0 =	sne.s32 s10, $0xFE00;
	[tilespmem:s9+$0x144F0] =	vst v0  }
0x1c: {  	[tilespmem:s9+$0x14480] =	vst v0  }
0x1d: {  	[tilespmem:s9+$0x14490] =	vst v0  }
.Ltmp0:
0x1e: {  	[tilespmem:s9+$0x144A0] =	vst v0;
	(pc) =	sbr.rel @p0 .LBB2_2-.Ltmp0, $4  }
0x1f: {  	[tilespmem:s9+$0x144B0] =	vst v0  }
0x20: {  	[tilespmem:s9+$0x144C0] =	vst v0  }
0x21: {  	[tilespmem:s9+$0x144D0] =	vst v0  }
0x22: {  	[tilespmem:s9+$0x144E0] =	vst v0;
	s9 =	sshra.s32 s10, $0x2;
	s10 =	sadd.s32 $0x200, s10  }
0x23: {  	[tilespmem:s9+$0x144F0] =	vst v0  }
0x24: {  	[tilespmem:s9+$0x14480] =	vst v0  }
0x25: {  	[tilespmem:s9+$0x14490] =	vst v0  }
0x26: {  	[tilespmem:s9+$0x144A0] =	vst v0  }
0x27: {  	[tilespmem:s9+$0x144B0] =	vst v0  }
0x28: {  	[tilespmem:s9+$0x144C0] =	vst v0  }
0x29: {  	[tilespmem:s9+$0x144D0] =	vst v0  }
0x2a: {  	[tilespmem:s9+$0x144E0] =	vst v0  }
0x2b: {  	[spmem:s7] =	stream.linear.scatter [tilespmem:s18], [sflag:$0x7], $0x4000, $0x38;
	[tilespmem:$0x1C780] =	vst v63  }
0x2c: {  	_ =	swait.ge [sflag:s19], $0x4000  }
0x2d: {  	[sflag:s19] =	ssyncset.done $0x0  }
0x2e: {  	s10 =	rddreg [dreg:$0x7];
	[sflag:s19] =	ssyncadd.s32 $0xFFFFC000  }
0x2f: {  	[spmem:s10] =	stream.linear.scatter [tilespmem:s18], [sflag:$0x7], $0x4000, $0x38;
	[tilespmem:$0x1C780] =	vst v63  }
0x30: {  	_ =	swait.ge [sflag:s19], $0x4000  }
0x31: {  	[sflag:s19] =	ssyncset.done $0x0  }
0x32: {  	s11 =	rddreg [dreg:$0x8];
	[sflag:s19] =	ssyncadd.s32 $0xFFFFC000  }
0x33: {  	[spmem:s11] =	stream.linear.scatter [tilespmem:s18], [sflag:$0x7], $0x4000, $0x38;
	[tilespmem:$0x1C780] =	vst v63  }
0x34: {  	_ =	swait.ge [sflag:s19], $0x4000  }
0x35: {  	[sflag:s19] =	ssyncset.done $0x0  }
0x36: {  	s14 =	rddreg [dreg:$0x9];
	[sflag:s19] =	ssyncadd.s32 $0xFFFFC000  }
0x37: {  	[spmem:s14] =	stream.linear.scatter [tilespmem:s18], [sflag:$0x7], $0x4000, $0x38;
	[tilespmem:$0x1C780] =	vst v63  }
0x38: {  	_ =	swait.ge [sflag:s19], $0x4000  }
0x39: {  	[sflag:s19] =	ssyncset.done $0x0  }
0x3a: {  	s15 =	rddreg [dreg:$0xa];
	[sflag:s19] =	ssyncadd.s32 $0xFFFFC000  }
0x3b: {  	[spmem:s15] =	stream.linear.scatter [tilespmem:s18], [sflag:$0x7], $0x4000, $0x38;
	[tilespmem:$0x1C780] =	vst v63  }
0x3c: {  	_ =	swait.ge [sflag:s19], $0x4000  }
0x3d: {  	[sflag:s19] =	ssyncset.done $0x0  }
0x3e: {  	[sflag:s19] =	ssyncadd.s32 $0xFFFFC000  }
0x3f: {  	[tilespmem:$0x1C500] =	vst v0  }
0x40: {  	[tilespmem:$0x1C510] =	vst v0  }
0x41: {  	[tilespmem:$0x1C520] =	vst v0  }
0x42: {  	[tilespmem:$0x1C530] =	vst v0  }
0x43: {  	[tilespmem:$0x1C540] =	vst v0  }
0x44: {  	[tilespmem:$0x1C550] =	vst v0  }
0x45: {  	[tilespmem:$0x1C560] =	vst v0  }
0x46: {  	[tilespmem:$0x1C570] =	vst v0  }
0x47: {  	[tilespmem:$0x1C580] =	vst v0  }
0x48: {  	[tilespmem:$0x1C590] =	vst v0  }
0x49: {  	[tilespmem:$0x1C5A0] =	vst v0  }
0x4a: {  	[tilespmem:$0x1C5B0] =	vst v0  }
0x4b: {  	[tilespmem:$0x1C5C0] =	vst v0  }
0x4c: {  	[tilespmem:$0x1C5D0] =	vst v0  }
0x4d: {  	[tilespmem:$0x1C5E0] =	vst v0  }
0x4e: {  	[tilespmem:$0x1C5F0] =	vst v0  }
0x4f: {  	[tilespmem:$0x1C600] =	vst v0  }
0x50: {  	[tilespmem:$0x1C610] =	vst v0  }
0x51: {  	[tilespmem:$0x1C620] =	vst v0  }
0x52: {  	[tilespmem:$0x1C630] =	vst v0  }
0x53: {  	[tilespmem:$0x1C640] =	vst v0  }
0x54: {  	[tilespmem:$0x1C650] =	vst v0  }
0x55: {  	[tilespmem:$0x1C660] =	vst v0  }
0x56: {  	[tilespmem:$0x1C670] =	vst v0  }
0x57: {  	[tilespmem:$0x1C680] =	vst v0  }
0x58: {  	[tilespmem:$0x1C690] =	vst v0  }
0x59: {  	[tilespmem:$0x1C6A0] =	vst v0  }
0x5a: {  	[tilespmem:$0x1C6B0] =	vst v0  }
0x5b: {  	[tilespmem:$0x1C6C0] =	vst v0  }
0x5c: {  	[tilespmem:$0x1C6D0] =	vst v0  }
0x5d: {  	[tilespmem:$0x1C6E0] =	vst v0  }
0x5e: {  	[tilespmem:$0x1C6F0] =	vst v0  }
0x5f: {  	[tilespmem:$0x1C700] =	vst v0  }
0x60: {  	[tilespmem:$0x1C710] =	vst v0  }
0x61: {  	[tilespmem:$0x1C720] =	vst v0  }
0x62: {  	[tilespmem:$0x1C730] =	vst v0  }
0x63: {  	[tilespmem:$0x1C740] =	vst v0  }
0x64: {  	[tilespmem:$0x1C750] =	vst v0  }
0x65: {  	[tilespmem:$0x1C760] =	vst v0  }
0x66: {  	s10 =	simm.s32 $0x1C500;
	[tilespmem:$0x1C770] =	vst v0  }
0x67: {  	[spmem:s12] =	stream.linear.scatter [tilespmem:s10], [sflag:$0x7], $0x280, $0x38;
	[tilespmem:$0x1C780] =	vst v63  }
0x68: {  	_ =	swait.ge [sflag:s19], $0x280  }
0x69: {  	[sflag:s19] =	ssyncset.done $0x0  }
0x6a: {  	[sflag:s19] =	ssyncadd.s32 $0xFFFFFD80  }
0x6b: {  	[tilespmem:$0x1C480] =	vst v1  }
0x6c: {  	[tilespmem:$0x1C490] =	vst v1  }
0x6d: {  	[tilespmem:$0x1C4A0] =	vst v1  }
0x6e: {  	[tilespmem:$0x1C4B0] =	vst v1  }
0x6f: {  	[tilespmem:$0x1C4C0] =	vst v1  }
0x70: {  	[tilespmem:$0x1C4D0] =	vst v1  }
0x71: {  	[tilespmem:$0x1C4E0] =	vst v1  }
0x72: {  	s11 =	simm.s32 $0x0;
	[tilespmem:$0x1C4F0] =	vst v1  }
0x73: {  	[tilespmem:s21], [sflag:$0x7] =	stream.linear.gather [hbm4b:s13+s11], $0x100, $0x38;
	[tilespmem:$0x1C780] =	vst v63  }
0x74: {  	_ =	swait.ge [sflag:s19], $0x100  }
0x75: {  	[sflag:s19] =	ssyncset.done $0x0  }
0x76: {  	[sflag:s19] =	ssyncadd.s32 $0xFFFFFF00  }
0x77: {  	[tilespmem:s18], [sflag:$0x1] =	stream.indirect.gather [hbm4b:s0+s22], $0x80, s21, s22, $0xb8;
	[tilespmem:$0x1C780] =	vst v63  }
0x78: {  	s10 =	rddreg [dreg:$0xb]  }
0x79: {  	[tilespmem:s23], [sflag:$0x7] =	stream.linear.gather [hbm4b:s10+s11], $0x100, $0x38;
	[tilespmem:$0x1C780] =	vst v63  }
0x7a: {  	_ =	swait.ge [sflag:s19], $0x100  }
0x7b: {  	[sflag:s19] =	ssyncset.done $0x0  }
0x7c: {  	[sflag:s19] =	ssyncadd.s32 $0xFFFFFF00  }
0x7d: {  	[tilespmem:s24], [sflag:$0x2] =	stream.indirect.gather [hbm4b:s0+s22], $0x80, s23, s22, $0xb8;
	[tilespmem:$0x1C780] =	vst v63  }
0x7e: {  	[bflag:$0x0] =	sbarrier.arrive $0xFFFF  }
0x7f: {  	_ =	swait.ge [sflag:s25], $0x4000  }
0x80: {  	[sflag:s25] =	ssyncset.done $0x0  }
0x81: {  	[sflag:s25] =	ssyncadd.s32 $0xFFFFC000  }
0x82: {  	[spmem:s3] =	stream.indirect.scatter.add.f32 [tilespmem:s18], [sflag:$0x3], $0x80, s26, s22, $0xb8;
	[tilespmem:$0x1C780] =	vst v63  }
0x83: {  	_ = 	snop  }
0x84: {  	[spmem:s4] =	stream.indirect.scatter.add.f32 [tilespmem:s28], [sflag:$0x5], $0x1, s26, s22, $0xb8;
	[tilespmem:$0x1C780] =	vst v63  }
0x85: {  	_ =	swait.ge [sflag:s29], $0x4000  }
0x86: {  	[sflag:s29] =	ssyncset.done $0x0  }
0x87: {  	[sflag:s29] =	ssyncadd.s32 $0xFFFFC000  }
0x88: {  	_ =	swait.ge [sflag:s30], $0x80  }
0x89: {  	s14 =	rddreg [dreg:$0x6]  }
0x8a: {  	s15 =	sadd.s32 $0x0, s14  }
0x8b: {  	s9 =	simm.s32 $0x200;
	s11 =	sadd.s32 $0x200, s15  }
0x8c: {  	s14 =	sand.u32 $0x200, s9;
	s11 =	sand.u32 $0xFFFFFC00, s11  }
0x8d: {  	s11 =	sor.u32 s14, s11  }
0x8e: {  	[sflag:s30] =	ssyncset.done $0x0;
	s11 =	sshrl.u32 s11, $0x3  }
0x8f: {  	[sflag:s30] =	ssyncadd.s32 $0xFFFFFF80;
	s11 =	sadd.s32 s6, s11  }
0x90: {  	[tilespmem:s21], [sflag:$0x7] =	stream.linear.gather [hbm4b:s11+s5], $0x100, $0x38;
	[tilespmem:$0x1C780] =	vst v63  }
0x91: {  	_ =	swait.ge [sflag:s19], $0x100  }
0x92: {  	[sflag:s19] =	ssyncset.done $0x0  }
0x93: {  	[sflag:s19] =	ssyncadd.s32 $0xFFFFFF00  }
0x94: {  	[tilespmem:s18], [sflag:$0x1] =	stream.indirect.gather [hbm4b:s0+s22], $0x80, s21, s22, $0xb8;
	[tilespmem:$0x1C780] =	vst v63  }
0x95: {  	_ =	swait.ge [sflag:s31], $0x4000  }
0x96: {  	[sflag:s31] =	ssyncset.done $0x0  }
0x97: {  	[sflag:s31] =	ssyncadd.s32 $0xFFFFC000  }
0x98: {  	[spmem:s3] =	stream.indirect.scatter.add.f32 [tilespmem:s24], [sflag:$0x4], $0x80, s2, s22, $0xb8;
	[tilespmem:$0x1C780] =	vst v63  }
0x99: {  	_ = 	snop  }
0x9a: {  	[spmem:s4] =	stream.indirect.scatter.add.f32 [tilespmem:s28], [sflag:$0x6], $0x1, s2, s22, $0xb8;
	[tilespmem:$0x1C780] =	vst v63  }
0x9b: {  	_ =	swait.ge [sflag:s20], $0x4000  }
0x9c: {  	s10 =	sadd.s32 $0x300, s15;
	s14 =	simm.s32 $0x300;
	[sflag:s20] =	ssyncset.done $0x0  }
0x9d: {  	s10 =	sand.u32 $0xFFFFFC00, s10;
	s11 =	sand.u32 $0x300, s14;
	[sflag:s20] =	ssyncadd.s32 $0xFFFFC000  }
0x9e: {  	s10 =	sor.u32 s11, s10;
	_ =	swait.ge [sflag:s1], $0x80  }
0x9f: {  	s10 =	sshrl.u32 s10, $0x3;
	[sflag:s1] =	ssyncset.done $0x0  }
0xa0: {  	s10 =	sadd.s32 s6, s10;
	[sflag:s1] =	ssyncadd.s32 $0xFFFFFF80  }
0xa1: {  	[tilespmem:s23], [sflag:$0x7] =	stream.linear.gather [hbm4b:s10+s5], $0x100, $0x38;
	[tilespmem:$0x1C780] =	vst v63  }
0xa2: {  	_ =	swait.ge [sflag:s19], $0x100  }
0xa3: {  	[sflag:s19] =	ssyncset.done $0x0  }
0xa4: {  	[sflag:s19] =	ssyncadd.s32 $0xFFFFFF00  }
0xa5: {  	[tilespmem:s24], [sflag:$0x2] =	stream.indirect.gather [hbm4b:s0+s22], $0x80, s23, s22, $0xb8;
	[tilespmem:$0x1C780] =	vst v63  }
0xa6: {  	_ =	swait.ge [sflag:s25], $0x4000  }
0xa7: {  	s15 =	rddreg [dreg:$0x5]  }
0xa8: {  	p0 =	sne.s32 s15, $0x200  }
.Ltmp1:
0xa9: {  	_ = 	snop;
	(pc) =	sbr.rel @!p0 .LBB2_5-.Ltmp1, $4  }
0xaa: {  	_ = 	snop  }
0xab: {  	[sflag:s25] =	ssyncset.done $0x0  }
0xac: {  	[sflag:s25] =	ssyncadd.s32 $0xFFFFC000  }
0xad: {  	[spmem:s3] =	stream.indirect.scatter.add.f32 [tilespmem:s18], [sflag:$0x3], $0x80, s26, s22, $0xb8;
	[tilespmem:$0x1C780] =	vst v63  }
.LBB2_4:
0xae: {  	[spmem:s4] =	stream.indirect.scatter.add.f32 [tilespmem:s28], [sflag:$0x5], $0x1, s26, s22, $0xb8;
	[tilespmem:$0x1C780] =	vst v63  }
0xaf: {  	_ =	swait.ge [sflag:s29], $0x4000  }
0xb0: {  	[sflag:s29] =	ssyncset.done $0x0  }
0xb1: {  	[sflag:s29] =	ssyncadd.s32 $0xFFFFC000  }
0xb2: {  	_ =	swait.ge [sflag:s30], $0x80  }
0xb3: {  	s10 =	smov.u32 s9;
	s11 =	rddreg [dreg:$0x6]  }
0xb4: {  	s11 =	sadd.s32 s10, s11  }
0xb5: {  	s9 =	sadd.s32 $0x200, s9;
	s14 =	sadd.s32 $0x200, s11  }
0xb6: {  	s15 =	sand.u32 $0x200, s9;
	s14 =	sand.u32 $0xFFFFFC00, s14  }
0xb7: {  	s14 =	sor.u32 s15, s14  }
0xb8: {  	[sflag:s30] =	ssyncset.done $0x0;
	s14 =	sshrl.u32 s14, $0x3  }
0xb9: {  	[sflag:s30] =	ssyncadd.s32 $0xFFFFFF80;
	s14 =	sadd.s32 s6, s14  }
0xba: {  	[tilespmem:s21], [sflag:$0x7] =	stream.linear.gather [hbm4b:s14+s5], $0x100, $0x38;
	[tilespmem:$0x1C780] =	vst v63  }
0xbb: {  	_ =	swait.ge [sflag:s19], $0x100  }
0xbc: {  	[sflag:s19] =	ssyncset.done $0x0  }
0xbd: {  	[sflag:s19] =	ssyncadd.s32 $0xFFFFFF00  }
0xbe: {  	[tilespmem:s18], [sflag:$0x1] =	stream.indirect.gather [hbm4b:s0+s22], $0x80, s21, s22, $0xb8;
	[tilespmem:$0x1C780] =	vst v63  }
0xbf: {  	_ =	swait.ge [sflag:s31], $0x4000  }
0xc0: {  	[sflag:s31] =	ssyncset.done $0x0  }
0xc1: {  	[sflag:s31] =	ssyncadd.s32 $0xFFFFC000  }
0xc2: {  	[spmem:s3] =	stream.indirect.scatter.add.f32 [tilespmem:s24], [sflag:$0x4], $0x80, s2, s22, $0xb8;
	[tilespmem:$0x1C780] =	vst v63  }
0xc3: {  	_ = 	snop  }
0xc4: {  	[spmem:s4] =	stream.indirect.scatter.add.f32 [tilespmem:s28], [sflag:$0x6], $0x1, s2, s22, $0xb8;
	[tilespmem:$0x1C780] =	vst v63  }
0xc5: {  	_ =	swait.ge [sflag:s20], $0x4000  }
0xc6: {  	s10 =	sadd.s32 $0x300, s10;
	s11 =	sadd.s32 $0x300, s11;
	[sflag:s20] =	ssyncset.done $0x0  }
0xc7: {  	s10 =	sand.u32 $0x300, s10;
	s11 =	sand.u32 $0xFFFFFC00, s11;
	[sflag:s20] =	ssyncadd.s32 $0xFFFFC000  }
0xc8: {  	s10 =	sor.u32 s10, s11;
	_ =	swait.ge [sflag:s1], $0x80  }
0xc9: {  	s10 =	sshrl.u32 s10, $0x3;
	[sflag:s1] =	ssyncset.done $0x0  }
0xca: {  	s10 =	sadd.s32 s6, s10;
	[sflag:s1] =	ssyncadd.s32 $0xFFFFFF80  }
0xcb: {  	[tilespmem:s23], [sflag:$0x7] =	stream.linear.gather [hbm4b:s10+s5], $0x100, $0x38;
	[tilespmem:$0x1C780] =	vst v63  }
0xcc: {  	_ =	swait.ge [sflag:s19], $0x100  }
0xcd: {  	[sflag:s19] =	ssyncset.done $0x0  }
0xce: {  	[sflag:s19] =	ssyncadd.s32 $0xFFFFFF00  }
0xcf: {  	[tilespmem:s24], [sflag:$0x2] =	stream.indirect.gather [hbm4b:s0+s22], $0x80, s23, s22, $0xb8;
	[tilespmem:$0x1C780] =	vst v63  }
0xd0: {  	_ =	swait.ge [sflag:s25], $0x4000  }
0xd1: {  	s15 =	rddreg [dreg:$0x5]  }
0xd2: {  	p0 =	sne.s32 s15, s9  }
.Ltmp2:
0xd3: {  	_ = 	snop;
	(pc) =	sbr.rel @p0 .LBB2_4-.Ltmp2, $4  }
0xd4: {  	_ = 	snop  }
0xd5: {  	[sflag:s25] =	ssyncset.done $0x0  }
0xd6: {  	[sflag:s25] =	ssyncadd.s32 $0xFFFFC000  }
0xd7: {  	[spmem:s3] =	stream.indirect.scatter.add.f32 [tilespmem:s18], [sflag:$0x3], $0x80, s26, s22, $0xb8;
	[tilespmem:$0x1C780] =	vst v63  }
.LBB2_5:
0xd8: {  	[spmem:s4] =	stream.indirect.scatter.add.f32 [tilespmem:s28], [sflag:$0x5], $0x1, s26, s22, $0xb8;
	[tilespmem:$0x1C780] =	vst v63  }
0xd9: {  	_ =	swait.ge [sflag:s29], $0x4000  }
0xda: {  	[sflag:s29] =	ssyncset.done $0x0  }
0xdb: {  	[sflag:s29] =	ssyncadd.s32 $0xFFFFC000  }
0xdc: {  	_ =	swait.ge [sflag:s30], $0x80  }
0xdd: {  	[sflag:s30] =	ssyncset.done $0x0  }
0xde: {  	[sflag:s30] =	ssyncadd.s32 $0xFFFFFF80  }
0xdf: {  	_ =	swait.ge [sflag:s31], $0x4000  }
0xe0: {  	[sflag:s31] =	ssyncset.done $0x0  }
0xe1: {  	[sflag:s31] =	ssyncadd.s32 $0xFFFFC000  }
0xe2: {  	[spmem:s3] =	stream.indirect.scatter.add.f32 [tilespmem:s24], [sflag:$0x4], $0x80, s2, s22, $0xb8;
	[tilespmem:$0x1C780] =	vst v63  }
0xe3: {  	_ = 	snop  }
0xe4: {  	[spmem:s4] =	stream.indirect.scatter.add.f32 [tilespmem:s28], [sflag:$0x6], $0x1, s2, s22, $0xb8;
	[tilespmem:$0x1C780] =	vst v63  }
0xe5: {  	_ =	swait.ge [sflag:s20], $0x4000  }
0xe6: {  	[sflag:s20] =	ssyncset.done $0x0  }
0xe7: {  	[sflag:s20] =	ssyncadd.s32 $0xFFFFC000  }
0xe8: {  	_ =	swait.ge [sflag:s1], $0x80  }
0xe9: {  	[sflag:s1] =	ssyncset.done $0x0  }
0xea: {  	s9 =	stileid.u32;
	[sflag:s1] =	ssyncadd.s32 $0xFFFFFF80  }
0xeb: {  	s9 =	sshll.u32 s9, $0x6;
	[bflag:$0x0] =	sbarrier.arrive $0xFFFF  }
0xec: {  	s10 =	sshrl.u32 s7, $0x3;
	s9 =	sor.u32 $0x1C07, s9;
	s11 =	rddreg [dreg:$0xc]  }
0xed: {  	[hbm:s11], [sflag:s9] =	dma.local [spmem:s10], $0x2800  }
0xee: {  	s8 =	sadd.s32 $0x1, s8;
	_ =	swait.ge [sflag:s19], $0x2800  }
0xef: {  	p0 =	sne.s32 s8, s17;
	[sflag:s19] =	ssyncset.done $0x0  }
.Ltmp3:
0xf0: {  	s15 =	sshrl.u32 s12, $0x3;
	[sflag:s19] =	ssyncadd.s32 $0xFFFFD800;
	(pc) =	sbr.rel @p0 .LBB2_1-.Ltmp3, $4  }
0xf1: {  	[hbm:s16], [sflag:s9] =	dma.local [spmem:s15], $0x50  }
0xf2: {  	_ =	swait.ge [sflag:s19], $0x50  }
0xf3: {  	[sflag:s19] =	ssyncset.done $0x0  }
0xf4: {  	[sflag:s19] =	ssyncadd.s32 $0xFFFFFFB0  }
0xf5: {  	_ =	sfence.sel $0x180000  }
0xf6: {  	[bflag:$0x0] =	sbarrier.arrive $0xFFFF  }
0xf7: {  	_ =	strace $0x90000047  }
0xf8: {  	s0 =	stileid.u32;
	[bflag:$0x2] =	sbarrier.arrive $0xFFFF  }
0xf9: {  	p0 =	sne.s32 s0, $0x0;
	s0 =	rddreg [dreg:$0x4]  }
0xfa: {  	s0 =	sadd.s32 @!p0 $0x100000, s0  }
0xfb: {  	[sflag:s0] =	ssyncadd.tile.s32 @!p0 $0x1;
	_ =	shalt  }
.Lfunc_end2:
_tile_overlayer_lowered:
.L_overlay_start_2:
0xfc: {  	(tag) =	ssettag $0x2  }
0xfd: {  	s0 =	rddreg [dreg:$0x0];
	s2 =	stileid.u32  }
0xfe: {  	s1 =	rddreg [dreg:$0x1];
	p0 =	sne.s32 s2, $0x0  }
0xff: {  	s3 =	rddreg [dreg:$0x2];
	[bflag:$0x3] =	sbarrier.arrive $0xFFFF;
	s2 =	simm.s32 @!p0 $0x1C07  }
0x100: {  	[timem:s3], [sflag:s2] =	dma.local @!p0 [hbm:s0], s1  }
0x101: {  	s0 =	simm.s32 @!p0 $0x7  }
0x102: {  	_ =	swait.ge @!p0 [sflag:s0], s1  }
0x103: {  	s1 =	ssub.s32 @!p0 $0x0, s1;
	[sflag:s0] =	ssyncset.done @!p0 $0x0  }
0x104: {  	[sflag:s0] =	ssyncadd.s32 @!p0 s1  }
0x105: {  	[bflag:$0x3] =	sbarrier.arrive $0xFFFF  }
0x106: {  	_ =	shalt  }

// kernel: kernel.9.cloned.1.call-start
scs
__scs_entry_jumppad:
0x0: {  	(pc) =	sbr.rel $0x88, $3  }
0x1: {  	(tag) =	ssettag $0x0;
	lr =	simm.s32 $0x1  }
0x2: {  	[smem:$0x3F98] =	sst lr;
	_ =	strace $0xD0000000  }
0x3: {  	_ = 	snop  }
0x4: {  	_ = 	snop  }
0x5: {  	_ = 	snop  }
0x6: {  	_ = 	snop  }
0x7: {  	_ = 	snop  }
__scs_overlays_trampoline_lowered:
0x8: {  	[smem:$0x3FA7] =	sst s0  }
0x9: {  	[smem:$0x3FA8] =	sst s1  }
0xa: {  	[smem:$0x3FA9] =	sst s2  }
0xb: {  	[smem:$0x3FAA] =	sst s3  }
0xc: {  	[smem:$0x3FAB] =	sst s4  }
0xd: {  	[smem:$0x3FAC] =	sst s5  }
0xe: {  	[smem:$0x3FAD] =	sst s6  }
0xf: {  	[smem:$0x3FAE] =	sst s7  }
0x10: {  	[smem:$0x3FAF] =	sst s8  }
0x11: {  	[smem:$0x3FB0] =	sst s9;
	s0 =	simm.s32 @!p0 $0x0  }
0x12: {  	s1 =	sld [smem:$0x3F96];
	s0 =	simm.s32 @p0 $0x1  }
0x13: {  	[smem:$0x3FB1] =	sst s0;
	s0 =	simm.s32 @!p1 $0x0  }
0x14: {  	s2 =	sld [smem:$0x3F95];
	s0 =	simm.s32 @p1 $0x1  }
0x15: {  	[smem:$0x3FB2] =	sst s0;
	s0 =	simm.s32 @!p2 $0x0  }
0x16: {  	s3 =	sld [smem:$0x3FDB];
	s0 =	simm.s32 @p2 $0x1  }
0x17: {  	s4 =	simm.s32 $0x1BF5;
	[smem:$0x3FB4] =	sst s0  }
0x18: {  	s0 =	sld [smem:$0x3F97];
	_ =	swait.ge [sflag:s4], $0x0  }
0x19: {  	s7 =	sld [smem:$0x3F98]  }
0x1a: {  	s8 =	sadd.s32 $0xFFFFE003, lr  }
0x1b: {  	s9 =	sadd.s32 $0xFFFFFEF7, lr;
	s5 =	simm.s32 $0xFFFFFFFF;
	p2 =	slt.u32 s8, $0xFFFFF086  }
0x1c: {  	p1 =	slt.u32 s9, $0xF7A;
	s5 =	simm.s32 @!p2 $0x0  }
0x1d: {  	s5 =	simm.s32 @p1 $0x1;
	p0 =	seq.s32 s7, s2  }
0x1e: {  	s7 =	smul.u32 @!p0 $0xF7A, s2;
	p2 =	seq.s32 @!p0 s5, $0x0  }
0x1f: {  	s9 =	smul.u32 $0xF7A, s1;
	s8 =	simm.s32 @!p0 $0x1BF5;
	p2 =	por !p2, p0  }
0x20: {  	[sflag:s8] =	ssyncset.s32 @!p0 $0xFFFFF086;
	s6 =	sadd.s32 @!p0 s3, s7;
	s7 =	simm.s32 @!p0 $0x108  }
0x21: {  	s3 =	sadd.s32 s3, s9;
	s6 =	sadd.s32 @!p0 $0x88, s6;
	s7 =	simm.s32 @p2 $0x1082  }
0x22: {  	[simem:s7], [sflag:s8] =	dma.local @!p0 [hbm:s6], $0xF7A  }
0x23: {  	s9 =	sor.u32 $0xD0000000, s2;
	s6 =	simm.s32 $0x108;
	_ =	swait.ge @!p0 [sflag:s8], $0x0  }
0x24: {  	s3 =	sadd.s32 $0x88, s3;
	s6 =	simm.s32 @!p1 $0x1082;
	[sflag:s4] =	ssyncset.s32 $0xFFFFF086  }
0x25: {  	[simem:s6], [sflag:s4] =	dma.local [hbm:s3], $0xF7A  }
0x26: {  	[smem:$0x3F98] =	sst s1;
	(tag) =	ssettag s2;
	_ =	strace s9  }
0x27: {  	s1 =	sld [smem:$0x3FA8]  }
0x28: {  	s2 =	sld [smem:$0x3FA9]  }
0x29: {  	s4 =	sld [smem:$0x3FAB]  }
0x2a: {  	p0 =	seq.s32 s5, $0x0;
	s5 =	sld [smem:$0x3FAC]  }
0x2b: {  	s6 =	sld [smem:$0x3FAD]  }
0x2c: {  	s7 =	sld [smem:$0x3FAE]  }
0x2d: {  	s3 =	simm.s32 $0x108;
	s8 =	sld [smem:$0x3FAF]  }
0x2e: {  	s3 =	simm.s32 @!p0 $0x1082;
	s9 =	sld [smem:$0x3FB0]  }
0x2f: {  	lr =	sadd.s32 s0, s3;
	s0 =	sld [smem:$0x3FA7]  }
0x30: {  	s3 =	sld [smem:$0x3FAA]  }
0x31: {  	[smem:$0x3FB3] =	sst s10  }
0x32: {  	s10 =	sld [smem:$0x3FB1];
	_ =	sdelay $0x3  }
0x33: {  	p0 =	seq.s32 s10, $0x1;
	s10 =	sld [smem:$0x3FB3];
	_ =	sdelay $0x3  }
0x34: {  	[smem:$0x3FB3] =	sst s10  }
0x35: {  	s10 =	sld [smem:$0x3FB2];
	_ =	sdelay $0x3  }
0x36: {  	p1 =	seq.s32 s10, $0x1;
	s10 =	sld [smem:$0x3FB3];
	_ =	sdelay $0x3  }
0x37: {  	[smem:$0x3FB3] =	sst s10  }
0x38: {  	s10 =	sld [smem:$0x3FB4]  }
0x39: {  	_ = 	snop;
	(pc) =	sbr.ind lr, $3  }
0x3a: {  	_ = 	snop  }
0x3b: {  	_ = 	snop  }
0x3c: {  	p2 =	seq.s32 s10, $0x1;
	s10 =	sld [smem:$0x3FB3]  }
0x3d: {  	_ =	shalt  }
0x3e: {  	_ =	shalt  }
0x3f: {  	_ =	shalt  }
0x40: {  	_ =	shalt  }
0x41: {  	_ =	shalt  }
0x42: {  	_ =	shalt  }
0x43: {  	_ =	shalt  }
0x44: {  	_ =	shalt  }
0x45: {  	_ =	shalt  }
0x46: {  	_ =	shalt  }
0x47: {  	_ =	shalt  }
0x48: {  	_ =	shalt  }
0x49: {  	_ =	shalt  }
0x4a: {  	_ =	shalt  }
0x4b: {  	_ =	shalt  }
0x4c: {  	_ =	shalt  }
0x4d: {  	_ =	shalt  }
0x4e: {  	_ =	shalt  }
0x4f: {  	_ =	shalt  }
0x50: {  	_ =	shalt  }
0x51: {  	_ =	shalt  }
0x52: {  	_ =	shalt  }
0x53: {  	_ =	shalt  }
0x54: {  	_ =	shalt  }
0x55: {  	_ =	shalt  }
0x56: {  	_ =	shalt  }
0x57: {  	_ =	shalt  }
0x58: {  	_ =	shalt  }
0x59: {  	_ =	shalt  }
0x5a: {  	_ =	shalt  }
0x5b: {  	_ =	shalt  }
0x5c: {  	_ =	shalt  }
0x5d: {  	_ =	shalt  }
0x5e: {  	_ =	shalt  }
0x5f: {  	_ =	shalt  }
0x60: {  	_ =	shalt  }
0x61: {  	_ =	shalt  }
0x62: {  	_ =	shalt  }
0x63: {  	_ =	shalt  }
0x64: {  	_ =	shalt  }
0x65: {  	_ =	shalt  }
0x66: {  	_ =	shalt  }
0x67: {  	_ =	shalt  }
0x68: {  	_ =	shalt  }
0x69: {  	_ =	shalt  }
0x6a: {  	_ =	shalt  }
0x6b: {  	_ =	shalt  }
0x6c: {  	_ =	shalt  }
0x6d: {  	_ =	shalt  }
0x6e: {  	_ =	shalt  }
0x6f: {  	_ =	shalt  }
0x70: {  	_ =	shalt  }
0x71: {  	_ =	shalt  }
0x72: {  	_ =	shalt  }
0x73: {  	_ =	shalt  }
0x74: {  	_ =	shalt  }
0x75: {  	_ =	shalt  }
0x76: {  	_ =	shalt  }
0x77: {  	_ =	shalt  }
0x78: {  	_ =	shalt  }
0x79: {  	_ =	shalt  }
0x7a: {  	_ =	shalt  }
0x7b: {  	_ =	shalt  }
0x7c: {  	_ =	shalt  }
0x7d: {  	_ =	shalt  }
0x7e: {  	_ =	shalt  }
0x7f: {  	_ =	shalt  }
0x80: {  	_ =	shalt  }
0x81: {  	_ =	shalt  }
0x82: {  	_ =	shalt  }
0x83: {  	_ =	shalt  }
0x84: {  	_ =	shalt  }
0x85: {  	_ =	shalt  }
0x86: {  	_ =	shalt  }
0x87: {  	_ =	shalt  }
.Lfunc_end0:
.L_simem_size_0:
called_computation.1_lowered:
.L_overlay_start_0:
0x88: {  	s2 =	sld [smem:$0x3FD9]  }
0x89: {  	s3 =	sld [smem:$0x3FFE];
	_ =	sdelay $0x1  }
0x8a: {  	s1 =	srdreg.scid  }
0x8b: {  	s0 =	sand.u32 $0x1, s1  }
0x8c: {  	s16 =	sshll.u32 s0, $0xA;
	s2 =	sadd.s32 s3, s2  }
0x8d: {  	s2 =	sadd.s32 s2, s16  }
0x8e: {  	[smem:$0x3FBF] =	sst s2  }
0x8f: {  	_ = 	snop  }
0x90: {  	(tm) =	ssettm $0x1  }
0x91: {  	s17 =	sld [smem:$0x3FFB];
	_ =	sdelay $0x3  }
0x92: {  	_ =	strace s17  }
0x93: {  	s2 =	sld [smem:$0x3FFC];
	_ =	sdelay $0x3  }
0x94: {  	_ =	strace s2  }
0x95: {  	s2 =	sld [smem:$0x3FFD];
	_ =	sdelay $0x3  }
0x96: {  	_ =	strace s2  }
0x97: {  	_ =	strace $0x8FFFFFFF  }
0x98: {  	s18 =	sld [smem:$0x3FDB];
	_ =	sdelay $0x1  }
0x99: {  	s19 =	simm.s32 $_scs_section_size  }
0x9a: {  	s4 =	simm.s32 $_size__tile_overlayer_lowered;
	s5 =	simm.s32 $_tile_overlayer_lowered  }
0x9b: {  	s22 =	simm.s32 $0x1BFF;
	s21 =	sshll.u32 s5, $0x1;
	s2 =	sadd.s32 s19, s18  }
0x9c: {  	s6 =	simm.s32 $0x0;
	s20 =	sshll.u32 s4, $0x1;
	s4 =	sadd.s32 s21, s2  }
0x9d: {  	[timem:s6], [sflag:s22] =	dma.local [hbm:s4], s20  }
0x9e: {  	_ =	swait.ge [sflag:s22], s20  }
0x9f: {  	s3 =	ssub.s32 $0x0, s20;
	[sflag:s22] =	ssyncset.done $0x0  }
0xa0: {  	[sflag:s22] =	ssyncadd.s32 s3;
	_ =	sdelay $0x1  }
0xa1: {  	s23 =	simm.s32 $0x1B8B  }
0xa2: {  	_ =	swait.ge [sflag:s23], $0x1  }
0xa3: {  	[sflag:s23] =	ssyncset.done $0x0  }
0xa4: {  	s25 =	simm.s32 $0x1B8E;
	s24 =	sld [smem:$0x3FFE];
	[sflag:s23] =	ssyncadd.s32 $0xFFFFFFFF  }
0xa5: {  	s26 =	simm.s32 $execute0_lowered;
	[smem:$0x3FD2] =	sst s25  }
0xa6: {  	s4 =	sshll.u32 s26, $0x1;
	_ =	strace $0x80000049;
	[dreg:$0x1] =	wrdreg $0xFFFFFFFF  }
0xa7: {  	s28 =	simm.s32 $_size_execute0_lowered;
	s2 =	sadd.s32 s2, s4;
	[dreg:$0x0] =	wrdreg $0x0  }
0xa8: {  	s4 =	sshll.u32 s28, $0x1;
	[dreg:$0x2] =	wrdreg s2  }
0xa9: {  	[dreg:$0x3] =	wrdreg s4  }
0xaa: {  	[dreg:$0x4] =	wrdreg $0xC0  }
0xab: {  	_ =	task [dreg:s6], $0x5FFFF  }
0xac: {  	[dreg:$0x1] =	wrdreg $0xFFFFFFFF  }
0xad: {  	[dreg:$0x0] =	wrdreg $0x60  }
0xae: {  	[dreg:$0x2] =	wrdreg s24  }
0xaf: {  	[dreg:$0x3] =	wrdreg $0x0  }
0xb0: {  	[dreg:$0x4] =	wrdreg $0x9  }
0xb1: {  	_ =	task.clear_ibuf [dreg:s6], $0x5FFFF;
	_ =	strace $0x90000049  }
0xb2: {  	s29 =	simm.s32 $0x9;
	_ =	strace $0x8000004B  }
0xb3: {  	_ =	swait.ge [sflag:s29], $0x1  }
0xb4: {  	[sflag:s29] =	ssyncadd.s32 $0xFFFFFFFF  }
0xb5: {  	_ =	strace $0x9000004B  }
0xb6: {  	_ =	sfence  }
0xb7: {  	s30 =	sld [smem:$0x0];
	_ =	sdelay $0x2  }
0xb8: {  	s31 =	sshll.u32 s1, $0xD;
	s1 =	sshrl.u32 s1, $0x2  }
0xb9: {  	s3 =	sand.u32 $0x4000, s31;
	s1 =	sadd.s32 s1, s30  }
0xba: {  	s0 =	sor.u32 s3, s0;
	s1 =	sshll.u32 s1, $0x11  }
0xbb: {  	s0 =	sor.u32 s1, s0  }
0xbc: {  	s0 =	sadd.s32 $0x8F2B, s0  }
0xbd: {  	[sflag:s0] =	ssyncadd.remote.s32 $0x1  }
0xbe: {  	_ =	sfence.sel $0xFFFF  }
0xbf: {  	[dreg:$0x0] =	wrdreg $0xFFFFFFFF;
	(pc) =	sbr.abs _section_cstart, $3  }
0xc0: {  	[dreg:$0x1] =	wrdreg $0xFFFFFFFF  }
0xc1: {  	_ =	task.clear_ibuf [dreg:s6], $0x2FFFF;
	_ =	strace $0x9FFFFFFF  }
0xc2: {  	(tm) =	ssettm $0x7FFFFFFF  }
0xc3: {  	_ =	shalt  }
tec
execute0_lowered:
.L_overlay_start_1:
0x0: {  	(tag) =	ssettag $0x1  }
0x1: {  	s6 =	rddreg [dreg:$0x0]  }
0x2: {  	s1 =	rddreg [dreg:$0x1]  }
0x3: {  	s2 =	srdreg.scid;
	s3 =	simm.s32 $0x0;
	s0 =	stileid.u32  }
0x4: {  	s16 =	simm.s32 $0x9200;
	s17 =	simm.s32 $0x5;
	s18 =	simm.s32 $0x14000  }
0x5: {  	s19 =	simm.s32 $0x80;
	s20 =	simm.s32 $0x14100;
	s21 =	simm.s32 $0x18200  }
0x6: {  	s22 =	simm.s32 $0x1;
	s23 =	simm.s32 $0x14080;
	s9 =	smul.u32 $0x14000, s0  }
0x7: {  	s28 =	simm.s32 $0x4;
	s29 =	simm.s32 $0x0;
	s10 =	smul.u32 $0x50000, s0  }
0x8: {  	s7 =	sand.u32 $0x1, s2;
	[smem:$0x7FF] =	sst s3;
	s26 =	smul.u32 $0xC, s0  }
0x9: {  	s4 =	sadd.s32 $0x16400, s6;
	s5 =	sadd.s32 $0x2400, s6;
	s8 =	smul.u32 $0x140000, s7  }
0xa: {  	_ =	strace $0x8000004A;
	s24 =	ssub.s32 $0x2, s7;
	p0 =	seq.s32 s7, $0x0  }
0xb: {  	s25 =	sshrl.u32 s24, $0x1;
	s30 =	sshrl.u32 s10, $0x2;
	s15 =	sadd.s32 $0x940, s26  }
0xc: {  	s16 =	simm.s32 @!p0 $0xA00;
	s26 =	simm.s32 $0x14180;
	s8 =	sadd.s32 s9, s8  }
0xd: {  	s14 =	ssub.s32 s24, s25;
	s9 =	smul.u32 $0x94, s0;
	[dreg:$0x3] =	wrdreg s16  }
0xe: {  	s16 =	simm.s32 $0x14200;
	s24 =	simm.s32 $0x3;
	s8 =	sshrl.u32 s8, $0x3  }
0xf: {  	s25 =	simm.s32 $0x2;
	s13 =	sadd.s32 s8, s6;
	s6 =	sadd.s32 s30, s1  }
0x10: {  	s14 =	smax.u32 s14, $0x1;
	s15 =	smov.u32 @p0 s9;
	s31 =	sadd.s32 $0x4000, s6  }
0x11: {  	s8 =	sadd.s32 $0x8000, s6;
	s9 =	sadd.s32 $0xC000, s6;
	s11 =	sshll.u32 s15, $0x5  }
0x12: {  	s10 =	sadd.s32 $0x10000, s6;
	s13 =	sadd.s32 $0xB6E00, s13;
	s11 =	sadd.s32 s5, s11  }
0x13: {  	v0 =	vimm.f32 $0.0e+00;
	s15 =	sshll.u32 s15, $0x8;
	[dreg:$0x4] =	wrdreg s31;
	s12 =	sadd.s32 $0x20, s11  }
.LBB2_1:
0x14: {  	s30 =	simm.s32 $0x0;
	s31 =	simm.s32 $0x200  }
.LBB2_2:
0x15: {  	p0 =	sne.s32 s31, $0xFE00;
	[tilespmem:s30+$0x14270] =	vst v0  }
0x16: {  	[tilespmem:s30+$0x14200] =	vst v0  }
0x17: {  	[tilespmem:s30+$0x14210] =	vst v0  }
.Ltmp0:
0x18: {  	[tilespmem:s30+$0x14220] =	vst v0;
	(pc) =	sbr.rel @p0 .LBB2_2-.Ltmp0, $4  }
0x19: {  	[tilespmem:s30+$0x14230] =	vst v0  }
0x1a: {  	[tilespmem:s30+$0x14240] =	vst v0  }
0x1b: {  	[tilespmem:s30+$0x14250] =	vst v0  }
0x1c: {  	[tilespmem:s30+$0x14260] =	vst v0;
	s30 =	sshra.s32 s31, $0x2;
	s31 =	sadd.s32 $0x200, s31  }
0x1d: {  	[tilespmem:s30+$0x14270] =	vst v0  }
0x1e: {  	[tilespmem:s30+$0x14200] =	vst v0  }
0x1f: {  	[tilespmem:s30+$0x14210] =	vst v0  }
0x20: {  	[tilespmem:s30+$0x14220] =	vst v0  }
0x21: {  	[tilespmem:s30+$0x14230] =	vst v0  }
0x22: {  	[tilespmem:s30+$0x14240] =	vst v0  }
0x23: {  	[tilespmem:s30+$0x14250] =	vst v0  }
0x24: {  	[tilespmem:s30+$0x14260] =	vst v0  }
0x25: {  	[spmem:s6] =	stream.linear.scatter [tilespmem:s16], [sflag:$0x5], $0x4000, $0x38;
	[tilespmem:$0x1C200] =	vst v63  }
0x26: {  	_ =	swait.ge [sflag:s17], $0x4000  }
0x27: {  	[sflag:s17] =	ssyncset.done $0x0  }
0x28: {  	s0 =	rddreg [dreg:$0x4];
	[sflag:s17] =	ssyncadd.s32 $0xFFFFC000  }
0x29: {  	[spmem:s0] =	stream.linear.scatter [tilespmem:s16], [sflag:$0x5], $0x4000, $0x38;
	[tilespmem:$0x1C200] =	vst v63  }
0x2a: {  	_ =	swait.ge [sflag:s17], $0x4000  }
0x2b: {  	[sflag:s17] =	ssyncset.done $0x0  }
0x2c: {  	[sflag:s17] =	ssyncadd.s32 $0xFFFFC000  }
0x2d: {  	[spmem:s8] =	stream.linear.scatter [tilespmem:s16], [sflag:$0x5], $0x4000, $0x38;
	[tilespmem:$0x1C200] =	vst v63  }
0x2e: {  	_ =	swait.ge [sflag:s17], $0x4000  }
0x2f: {  	[sflag:s17] =	ssyncset.done $0x0  }
0x30: {  	[sflag:s17] =	ssyncadd.s32 $0xFFFFC000  }
0x31: {  	[spmem:s9] =	stream.linear.scatter [tilespmem:s16], [sflag:$0x5], $0x4000, $0x38;
	[tilespmem:$0x1C200] =	vst v63  }
0x32: {  	_ =	swait.ge [sflag:s17], $0x4000  }
0x33: {  	[sflag:s17] =	ssyncset.done $0x0  }
0x34: {  	[sflag:s17] =	ssyncadd.s32 $0xFFFFC000  }
0x35: {  	[spmem:s10] =	stream.linear.scatter [tilespmem:s16], [sflag:$0x5], $0x4000, $0x38;
	[tilespmem:$0x1C200] =	vst v63  }
0x36: {  	_ =	swait.ge [sflag:s17], $0x4000  }
0x37: {  	[sflag:s17] =	ssyncset.done $0x0  }
0x38: {  	s30 =	simm.s32 $0x0;
	[sflag:s17] =	ssyncadd.s32 $0xFFFFC000  }
0x39: {  	[tilespmem:s18], [sflag:$0x5] =	stream.linear.gather [hbm4b:s11+s30], $0x100, $0x38;
	[tilespmem:$0x1C200] =	vst v63  }
0x3a: {  	_ =	swait.ge [sflag:s17], $0x100  }
0x3b: {  	[sflag:s17] =	ssyncset.done $0x0  }
0x3c: {  	[sflag:s17] =	ssyncadd.s32 $0xFFFFFF00  }
0x3d: {  	[tilespmem:s16], [sflag:$0x1] =	stream.indirect.gather [hbm4b:s4+s19], $0x80, s18, s19, $0xb8;
	[tilespmem:$0x1C200] =	vst v63  }
0x3e: {  	_ = 	snop  }
0x3f: {  	[tilespmem:s20], [sflag:$0x5] =	stream.linear.gather [hbm4b:s12+s30], $0x100, $0x38;
	[tilespmem:$0x1C200] =	vst v63  }
0x40: {  	_ =	swait.ge [sflag:s17], $0x100  }
0x41: {  	[sflag:s17] =	ssyncset.done $0x0  }
0x42: {  	[sflag:s17] =	ssyncadd.s32 $0xFFFFFF00  }
0x43: {  	[tilespmem:s21], [sflag:$0x2] =	stream.indirect.gather [hbm4b:s4+s19], $0x80, s20, s19, $0xb8;
	[tilespmem:$0x1C200] =	vst v63  }
0x44: {  	[bflag:$0x0] =	sbarrier.arrive $0xFFFF  }
0x45: {  	_ =	swait.ge [sflag:s22], $0x4000  }
0x46: {  	[sflag:s22] =	ssyncset.done $0x0  }
0x47: {  	[sflag:s22] =	ssyncadd.s32 $0xFFFFC000  }
0x48: {  	[spmem:s1] =	stream.indirect.scatter.add.f32 [tilespmem:s16], [sflag:$0x3], $0x80, s23, s19, $0xb8;
	[tilespmem:$0x1C200] =	vst v63  }
.LBB2_4:
0x49: {  	s31 =	sadd.s32 s30, s15  }
0x4a: {  	s2 =	sadd.s32 $0x200, s30;
	s0 =	sadd.s32 $0x200, s31  }
0x4b: {  	s7 =	sand.u32 $0x200, s2;
	s0 =	sand.u32 $0xFFFFFC00, s0  }
0x4c: {  	_ =	swait.ge [sflag:s24], $0x4000;
	s0 =	sor.u32 s7, s0  }
0x4d: {  	[sflag:s24] =	ssyncset.done $0x0;
	s0 =	sshrl.u32 s0, $0x3  }
0x4e: {  	[sflag:s24] =	ssyncadd.s32 $0xFFFFC000;
	s0 =	sadd.s32 s5, s0  }
0x4f: {  	[tilespmem:s18], [sflag:$0x5] =	stream.linear.gather [hbm4b:s0+s3], $0x100, $0x38;
	[tilespmem:$0x1C200] =	vst v63  }
0x50: {  	_ =	swait.ge [sflag:s17], $0x100  }
0x51: {  	[sflag:s17] =	ssyncset.done $0x0  }
0x52: {  	[sflag:s17] =	ssyncadd.s32 $0xFFFFFF00  }
0x53: {  	[tilespmem:s16], [sflag:$0x1] =	stream.indirect.gather [hbm4b:s4+s19], $0x80, s18, s19, $0xb8;
	[tilespmem:$0x1C200] =	vst v63  }
0x54: {  	_ =	swait.ge [sflag:s25], $0x4000  }
0x55: {  	s7 =	sadd.s32 $0x300, s31;
	s31 =	sadd.s32 $0x300, s30;
	[sflag:s25] =	ssyncset.done $0x0  }
0x56: {  	s0 =	sand.u32 $0xFFFFFC00, s7;
	s7 =	sand.u32 $0x300, s31;
	[sflag:s25] =	ssyncadd.s32 $0xFFFFC000  }
0x57: {  	[spmem:s1] =	stream.indirect.scatter.add.f32 [tilespmem:s21], [sflag:$0x4], $0x80, s26, s19, $0xb8;
	[tilespmem:$0x1C200] =	vst v63  }
0x58: {  	s0 =	sor.u32 s7, s0;
	_ =	swait.ge [sflag:s28], $0x4000  }
0x59: {  	s0 =	sshrl.u32 s0, $0x3;
	[sflag:s28] =	ssyncset.done $0x0  }
0x5a: {  	s0 =	sadd.s32 s5, s0;
	[sflag:s28] =	ssyncadd.s32 $0xFFFFC000  }
0x5b: {  	[tilespmem:s20], [sflag:$0x5] =	stream.linear.gather [hbm4b:s0+s3], $0x100, $0x38;
	[tilespmem:$0x1C200] =	vst v63  }
0x5c: {  	_ =	swait.ge [sflag:s17], $0x100  }
0x5d: {  	[sflag:s17] =	ssyncset.done $0x0  }
0x5e: {  	[sflag:s17] =	ssyncadd.s32 $0xFFFFFF00  }
0x5f: {  	[tilespmem:s21], [sflag:$0x2] =	stream.indirect.gather [hbm4b:s4+s19], $0x80, s20, s19, $0xb8;
	[tilespmem:$0x1C200] =	vst v63  }
0x60: {  	_ =	swait.ge [sflag:s22], $0x4000  }
0x61: {  	s31 =	rddreg [dreg:$0x3]  }
0x62: {  	p0 =	sne.s32 s31, s2  }
.Ltmp1:
0x63: {  	_ = 	snop;
	(pc) =	sbr.rel @p0 .LBB2_4-.Ltmp1, $4  }
0x64: {  	_ = 	snop  }
0x65: {  	[sflag:s22] =	ssyncset.done $0x0  }
0x66: {  	s30 =	smov.u32 s2;
	[sflag:s22] =	ssyncadd.s32 $0xFFFFC000  }
0x67: {  	[spmem:s1] =	stream.indirect.scatter.add.f32 [tilespmem:s16], [sflag:$0x3], $0x80, s23, s19, $0xb8;
	[tilespmem:$0x1C200] =	vst v63  }
0x68: {  	_ =	swait.ge [sflag:s24], $0x4000  }
0x69: {  	[sflag:s24] =	ssyncset.done $0x0  }
0x6a: {  	[sflag:s24] =	ssyncadd.s32 $0xFFFFC000  }
0x6b: {  	_ =	swait.ge [sflag:s25], $0x4000  }
0x6c: {  	[sflag:s25] =	ssyncset.done $0x0  }
0x6d: {  	[sflag:s25] =	ssyncadd.s32 $0xFFFFC000  }
0x6e: {  	[spmem:s1] =	stream.indirect.scatter.add.f32 [tilespmem:s21], [sflag:$0x4], $0x80, s26, s19, $0xb8;
	[tilespmem:$0x1C200] =	vst v63  }
0x6f: {  	s0 =	stileid.u32;
	_ =	swait.ge [sflag:s28], $0x4000  }
0x70: {  	s2 =	sshrl.u32 s6, $0x3;
	s29 =	sadd.s32 $0x1, s29;
	[sflag:s28] =	ssyncset.done $0x0  }
0x71: {  	s0 =	sshll.u32 s0, $0x6;
	p0 =	sne.s32 s29, s14;
	[sflag:s28] =	ssyncadd.s32 $0xFFFFC000  }
.Ltmp2:
0x72: {  	s0 =	sor.u32 $0x1C05, s0;
	[bflag:$0x0] =	sbarrier.arrive $0xFFFF;
	(pc) =	sbr.rel @p0 .LBB2_1-.Ltmp2, $4  }
0x73: {  	[hbm:s13], [sflag:s0] =	dma.local [spmem:s2], $0x2800  }
0x74: {  	_ =	swait.ge [sflag:s17], $0x2800  }
0x75: {  	[sflag:s17] =	ssyncset.done $0x0  }
0x76: {  	[sflag:s17] =	ssyncadd.s32 $0xFFFFD800  }
0x77: {  	_ =	sfence.sel $0x180000  }
0x78: {  	[bflag:$0x0] =	sbarrier.arrive $0xFFFF  }
0x79: {  	_ =	strace $0x9000004A  }
0x7a: {  	s0 =	stileid.u32;
	[bflag:$0x2] =	sbarrier.arrive $0xFFFF  }
0x7b: {  	p0 =	sne.s32 s0, $0x0;
	s0 =	rddreg [dreg:$0x2]  }
0x7c: {  	s0 =	sadd.s32 @!p0 $0x100000, s0  }
0x7d: {  	[sflag:s0] =	ssyncadd.tile.s32 @!p0 $0x1;
	_ =	shalt  }
.Lfunc_end2:
_tile_overlayer_lowered:
.L_overlay_start_2:
0x7e: {  	(tag) =	ssettag $0x2  }
0x7f: {  	s0 =	rddreg [dreg:$0x0];
	s2 =	stileid.u32  }
0x80: {  	s1 =	rddreg [dreg:$0x1];
	p0 =	sne.s32 s2, $0x0  }
0x81: {  	s3 =	rddreg [dreg:$0x2];
	[bflag:$0x3] =	sbarrier.arrive $0xFFFF;
	s2 =	simm.s32 @!p0 $0x1C05  }
0x82: {  	[timem:s3], [sflag:s2] =	dma.local @!p0 [hbm:s0], s1  }
0x83: {  	s0 =	simm.s32 @!p0 $0x5  }
0x84: {  	_ =	swait.ge @!p0 [sflag:s0], s1  }
0x85: {  	s1 =	ssub.s32 @!p0 $0x0, s1;
	[sflag:s0] =	ssyncset.done @!p0 $0x0  }
0x86: {  	[sflag:s0] =	ssyncadd.s32 @!p0 s1  }
0x87: {  	[bflag:$0x3] =	sbarrier.arrive $0xFFFF  }
0x88: {  	_ =	shalt  }

</sc_bundles>
